<compile_context>
chip_gen: v7x
topology: tpu7x:2x2x1
jax: 0.10.2.dev20260603
libtpu: 0.0.44.dev20260713+nightly
codegen_flags: <defaults>
</compile_context>

<pallas_src>
import functools

import jax
import jax.numpy as jnp
from jax import lax
from jax.experimental import pallas as pl
from jax.experimental.pallas import tpu as pltpu
from jax.experimental.pallas import tpu_sc as plsc

N_NODES = 10000
D_FEAT = 128
N_EDGES = 320000

NUM_CORES = 2
NUM_SUBCORES = 16
COLS = D_FEAT // NUM_CORES

CHUNK = 128
CHUNKS_PER_TILE = 158
E_PAD = NUM_SUBCORES * CHUNKS_PER_TILE * CHUNK
N_ACC = 10240
ROWS_PER_TILE = N_ACC // NUM_SUBCORES
ZSTEPS = ROWS_PER_TILE // CHUNK
CNT_W = 16
LANES = 16


def _sc_aggregate(eb, xs):
  mesh = plsc.VectorSubcoreMesh(core_axis_name="c", subcore_axis_name="s")

  @functools.partial(
      pl.kernel,
      out_type=(
          jax.ShapeDtypeStruct((NUM_CORES, N_ACC, COLS), jnp.float32),
          jax.ShapeDtypeStruct((NUM_CORES, N_ACC, CNT_W), jnp.float32),
      ),
      mesh=mesh,
      compiler_params=pltpu.CompilerParams(use_tc_tiling_on_sc=False),
      scratch_types=[
          pltpu.VMEM((2, 2, CHUNK), jnp.int32),
          pltpu.VMEM((CHUNK, COLS), jnp.float32),
          pltpu.VMEM((CHUNK, COLS), jnp.float32),
          pltpu.VMEM((CHUNK, CNT_W), jnp.float32),
          pltpu.VMEM((CHUNK, CNT_W), jnp.float32),
          pltpu.VMEM_SHARED((N_ACC, COLS), jnp.float32),
          pltpu.VMEM_SHARED((N_ACC, CNT_W), jnp.float32),
          pltpu.SemaphoreType.DMA,
          pltpu.SemaphoreType.DMA,
          pltpu.SemaphoreType.DMA,
          pltpu.SemaphoreType.DMA,
      ],
  )
  def agg(eb_hbm, xs_hbm,
          sums_out, cnts_out,
          sd2, rows0, rows1, ones_v, cbuf,
          ssum, scnt, gsem0, gsem1, ssem0, ssem1):
    c = lax.axis_index("c")
    s = lax.axis_index("s")

    zero16 = jnp.zeros((LANES,), jnp.float32)
    one16 = jnp.ones((LANES,), jnp.float32)

    @pl.loop(0, CHUNK)
    def _(i):
      @pl.loop(0, COLS // LANES)
      def _(j):
        rows0[i, pl.ds(j * LANES, LANES)] = zero16
      cbuf[i, :] = zero16
      ones_v[i, :] = one16

    @pl.loop(0, ZSTEPS)
    def _(k):
      row0 = s * ROWS_PER_TILE + k * CHUNK
      pltpu.sync_copy(rows0, ssum.at[pl.ds(row0, CHUNK)])
      pltpu.sync_copy(cbuf, scnt.at[pl.ds(row0, CHUNK)])

    plsc.subcore_barrier()

    cbase = s * CHUNKS_PER_TILE

    def load_idx(slot, i):
      pltpu.sync_copy(eb_hbm.at[cbase + i], sd2.at[slot])

    def start_gather(slot, rows, sem):
      pltpu.async_copy(xs_hbm.at[c].at[sd2.at[slot].at[0]], rows, sem)

    def wait_gather(slot, rows, sem):
      pltpu.make_async_copy(
          xs_hbm.at[c].at[sd2.at[slot].at[0]], rows, sem).wait()

    def start_scatter(slot, rows, sem):
      pltpu.async_copy(rows, ssum.at[sd2.at[slot].at[1]], sem, add=True)

      @pl.when(c == 0)
      def _():
        pltpu.async_copy(ones_v, scnt.at[sd2.at[slot].at[1]], sem, add=True)

    def wait_scatter(slot, rows, sem):
      pltpu.make_async_copy(rows, ssum.at[sd2.at[slot].at[1]], sem).wait()

      @pl.when(c == 0)
      def _():
        pltpu.make_async_copy(ones_v, scnt.at[sd2.at[slot].at[1]], sem).wait()

    load_idx(0, 0)
    start_gather(0, rows0, gsem0)

    @pl.loop(0, CHUNKS_PER_TILE, step=2)
    def _(i):
      @pl.when(i > 0)
      def _():
        wait_scatter(1, rows1, ssem1)

      load_idx(1, i + 1)
      start_gather(1, rows1, gsem1)
      wait_gather(0, rows0, gsem0)
      start_scatter(0, rows0, ssem0)

      @pl.when(i + 2 < CHUNKS_PER_TILE)
      def _():
        wait_scatter(0, rows0, ssem0)
        load_idx(0, i + 2)
        start_gather(0, rows0, gsem0)

      wait_gather(1, rows1, gsem1)
      start_scatter(1, rows1, ssem1)

    wait_scatter(0, rows0, ssem0)
    wait_scatter(1, rows1, ssem1)

    plsc.subcore_barrier()

    @pl.loop(0, ZSTEPS)
    def _(k):
      row0 = s * ROWS_PER_TILE + k * CHUNK
      pltpu.sync_copy(ssum.at[pl.ds(row0, CHUNK)], rows0)
      pltpu.sync_copy(rows0, sums_out.at[c, pl.ds(row0, CHUNK)])
      pltpu.sync_copy(scnt.at[pl.ds(row0, CHUNK)], cbuf)
      pltpu.sync_copy(cbuf, cnts_out.at[c, pl.ds(row0, CHUNK)])

  return agg(eb, xs)


def _finish(sums, cnts, W, b):
  blk = 1000

  def body(s_ref, c_ref, w_ref, b_ref, o_ref):
    sm = jnp.concatenate([s_ref[0], s_ref[1]], axis=1)
    mean = sm / jnp.maximum(c_ref[0][:, 0:1], 1.0)
    o_ref[...] = (
        jnp.dot(mean, w_ref[...], preferred_element_type=jnp.float32)
        + b_ref[...]
    )

  return pl.pallas_call(
      body,
      grid=(N_NODES // blk,),
      in_specs=[
          pl.BlockSpec((NUM_CORES, blk, COLS), lambda i: (0, i, 0)),
          pl.BlockSpec((1, blk, CNT_W), lambda i: (0, i, 0)),
          pl.BlockSpec((D_FEAT, D_FEAT), lambda i: (0, 0)),
          pl.BlockSpec((1, D_FEAT), lambda i: (0, 0)),
      ],
      out_specs=pl.BlockSpec((blk, D_FEAT), lambda i: (i, 0)),
      out_shape=jax.ShapeDtypeStruct((N_NODES, D_FEAT), jnp.float32),
  )(sums, cnts, W, b.reshape(1, D_FEAT))


def kernel(x, edge_index, W, b):
  ei = edge_index.astype(jnp.int32)
  pad = E_PAD - N_EDGES
  src = jnp.concatenate([ei[0], jnp.zeros((pad,), jnp.int32)])
  dst = jnp.concatenate([ei[1], jnp.full((pad,), N_NODES, jnp.int32)])
  eb = jnp.stack(
      [src.reshape(-1, CHUNK), dst.reshape(-1, CHUNK)], axis=1)
  xs = jnp.stack([x[:, :COLS], x[:, COLS:]])
  sums, cnts = _sc_aggregate(eb, xs)
  return _finish(sums, cnts, W, b)

# --- scband reference (transcript-rebuilt; emitter-appended) ---
"""Pipeline reference for scband-baseline-gcn-54065048322659 (READ-ONLY COPY).

The authoritative reference and input builder live on the scoring server;
editing this copy changes nothing except your own understanding.
"""

import jax, jax.numpy as jnp
import numpy as np

N_NODES = 10000
N_EDGES = 320000
D_FEAT = 128

def setup_inputs(seed: int = 0) -> dict:
    key = jax.random.key(seed)
    k1, k2, k3, k4 = jax.random.split(key, 4)
    x = jax.random.normal(k1, (N_NODES, D_FEAT), dtype=jnp.float32)
    edge_index = jax.random.randint(k2, (2, N_EDGES), 0, N_NODES, dtype=jnp.int64)
    # post_model: Linear(128, 128)
    bound = 1.0 / np.sqrt(D_FEAT)
    W = jax.random.uniform(k3, (D_FEAT, D_FEAT), dtype=jnp.float32, minval=-bound, maxval=bound)
    b = jax.random.uniform(k4, (D_FEAT,), dtype=jnp.float32, minval=-bound, maxval=bound)
    return {"x": x, "edge_index": edge_index, "W": W, "b": b}

def reference(x, edge_index, W, b):
    # MeanMP: mean aggregation of source features at destination nodes
    # PyG default flow source_to_target: x_j = x[edge_index[0]], aggregate at edge_index[1]
    src = edge_index[0]
    dst = edge_index[1]
    msgs = jnp.take(x, src, axis=0)  # gather: [E, d]
    sums = jax.ops.segment_sum(msgs, dst, num_segments=x.shape[0])  # scatter-add
    counts = jax.ops.segment_sum(jnp.ones((edge_index.shape[1],), dtype=x.dtype), dst, num_segments=x.shape[0])
    mean = sums / jnp.maximum(counts, 1.0)[:, None]
    # post_model: Linear
    out = mean @ W + b
    return out

if __name__ == "__main__":
    import jax
    _d = setup_inputs()
    print(jax.jit(kernel)(*tuple(_d.values())))

</pallas_src>

<mosaic_0001>
#map = affine_map<(d0, d1) -> (0, 0, 0)>
module attributes {stable_mosaic.version = 14 : i64} {
  func.func @agg(%arg0: i32, %arg1: i32, %arg2: memref<2528x2x128xi32, #tpu.memory_space<hbm>>, %arg3: memref<2x10000x64xf32, #tpu.memory_space<hbm>>, %arg4: memref<2x10240x64xf32, #tpu.memory_space<hbm>>, %arg5: memref<2x10240x16xf32, #tpu.memory_space<hbm>>, %arg6: memref<2x2x128xi32, #tpu.memory_space<vmem>>, %arg7: memref<128x64xf32, #tpu.memory_space<vmem>>, %arg8: memref<128x64xf32, #tpu.memory_space<vmem>>, %arg9: memref<128x16xf32, #tpu.memory_space<vmem>>, %arg10: memref<128x16xf32, #tpu.memory_space<vmem>>, %arg11: memref<10240x64xf32, #tpu.memory_space<vmem_shared>>, %arg12: memref<10240x16xf32, #tpu.memory_space<vmem_shared>>, %arg13: memref<!tpu.dma_semaphore, #tpu.memory_space<semaphore_mem>>, %arg14: memref<!tpu.dma_semaphore, #tpu.memory_space<semaphore_mem>>, %arg15: memref<!tpu.dma_semaphore, #tpu.memory_space<semaphore_mem>>, %arg16: memref<!tpu.dma_semaphore, #tpu.memory_space<semaphore_mem>>) attributes {dimension_semantics = [#tpu.dimension_semantics<core_parallel>, #tpu.dimension_semantics<subcore_parallel>], iteration_bounds = array<i64: 2, 16>, scalar_prefetch = 0 : i64, scratch_operands = 11 : i64, tpu.core_type = #tpu.core_type<sc_vector_subcore>, window_params = [{transform_indices = #map}, {transform_indices = #map}, {transform_indices = #map}, {transform_indices = #map}]} {
    %broadcast_in_dim3A = arith.constant 0.000000e+00 : f32
    %broadcast_in_dim3A_0 = vector.broadcast %broadcast_in_dim3A : f32 to vector<16xf32>
    %broadcast_in_dim3A_1 = arith.constant 1.000000e+00 : f32
    %broadcast_in_dim3A_2 = vector.broadcast %broadcast_in_dim3A_1 : f32 to vector<16xf32>
    %scan3A = arith.constant 0 : i32
    %scan3A_3 = arith.constant 128 : i32
    %scan3A_4 = arith.addi %scan3A, %scan3A_3 : i32
    %scan3A_5 = arith.constant 1 : i32
    scf.for %scan3A_70 = %scan3A to %scan3A_4 step %scan3A_5  : i32 {
      %mul3A_71 = arith.constant 1 : i32
      %mul3A_72 = arith.muli %scan3A_70, %mul3A_71 : i32
      %add3A_73 = arith.constant 0 : i32
      %add3A_74 = arith.addi %add3A_73, %mul3A_72 : i32
      %scan3A_75 = arith.constant 0 : i32
      %scan3A_76 = arith.constant 4 : i32
      %scan3A_77 = arith.addi %scan3A_75, %scan3A_76 : i32
      %scan3A_78 = arith.constant 1 : i32
      scf.for %scan3A_89 = %scan3A_75 to %scan3A_77 step %scan3A_78  : i32 {
        %mul3A_90 = arith.constant 1 : i32
        %mul3A_91 = arith.muli %scan3A_89, %mul3A_90 : i32
        %add3A_92 = arith.constant 0 : i32
        %add3A_93 = arith.addi %add3A_92, %mul3A_91 : i32
        %mul3A_94 = arith.constant 16 : i32
        %mul3A_95 = arith.muli %add3A_93, %mul3A_94 : i32
        %swap3A_96 = arith.index_cast %add3A_74 : i32 to index
        %swap3A_97 = arith.index_cast %mul3A_95 : i32 to index
        %swap3A_98 = tpu.vector_load %arg7[%swap3A_96, %swap3A_97] {strides = array<i32>} : memref<128x64xf32, #tpu.memory_space<vmem>>, vector<1x16xf32>,
        %swap3A_99 = vector.shape_cast %swap3A_98 : vector<1x16xf32> to vector<16xf32>
        %swap3A_100 = vector.shape_cast %broadcast_in_dim3A_0 : vector<16xf32> to vector<1x16xf32>
        tpu.vector_store %arg7[%swap3A_96, %swap3A_97], %swap3A_100 {strides = array<i32>} : memref<128x64xf32, #tpu.memory_space<vmem>>, vector<1x16xf32>,
      }
      %scan3A_79 = arith.constant 4 : i32
      %swap3A = arith.index_cast %add3A_74 : i32 to index
      %swap3A_80 = arith.constant 0 : index
      %swap3A_81 = tpu.vector_load %arg10[%swap3A, %swap3A_80] {strides = array<i32>} : memref<128x16xf32, #tpu.memory_space<vmem>>, vector<1x16xf32>,
      %swap3A_82 = vector.shape_cast %swap3A_81 : vector<1x16xf32> to vector<16xf32>
      %swap3A_83 = vector.shape_cast %broadcast_in_dim3A_0 : vector<16xf32> to vector<1x16xf32>
      tpu.vector_store %arg10[%swap3A, %swap3A_80], %swap3A_83 {strides = array<i32>} : memref<128x16xf32, #tpu.memory_space<vmem>>, vector<1x16xf32>,
      %swap3A_84 = arith.index_cast %add3A_74 : i32 to index
      %swap3A_85 = arith.constant 0 : index
      %swap3A_86 = tpu.vector_load %arg9[%swap3A_84, %swap3A_85] {strides = array<i32>} : memref<128x16xf32, #tpu.memory_space<vmem>>, vector<1x16xf32>,
      %swap3A_87 = vector.shape_cast %swap3A_86 : vector<1x16xf32> to vector<16xf32>
      %swap3A_88 = vector.shape_cast %broadcast_in_dim3A_2 : vector<16xf32> to vector<1x16xf32>
      tpu.vector_store %arg9[%swap3A_84, %swap3A_85], %swap3A_88 {strides = array<i32>} : memref<128x16xf32, #tpu.memory_space<vmem>>, vector<1x16xf32>,
    }
    %scan3A_6 = arith.constant 128 : i32
    %scan3A_7 = arith.constant 0 : i32
    %scan3A_8 = arith.constant 5 : i32
    %scan3A_9 = arith.addi %scan3A_7, %scan3A_8 : i32
    %scan3A_10 = arith.constant 1 : i32
    scf.for %scan3A_70 = %scan3A_7 to %scan3A_9 step %scan3A_10  : i32 {
      %mul3A_71 = arith.constant 1 : i32
      %mul3A_72 = arith.muli %scan3A_70, %mul3A_71 : i32
      %add3A_73 = arith.constant 0 : i32
      %add3A_74 = arith.addi %add3A_73, %mul3A_72 : i32
      %mul3A_75 = arith.constant 640 : i32
      %mul3A_76 = arith.muli %arg1, %mul3A_75 : i32
      %mul3A_77 = arith.constant 128 : i32
      %mul3A_78 = arith.muli %add3A_74, %mul3A_77 : i32
      %add3A_79 = arith.addi %mul3A_76, %mul3A_78 : i32
      "tpu.region"() ({
        %run_scoped3A_80 = tpu.sem_alloc : memref<!tpu.dma_semaphore, #tpu.memory_space<semaphore_mem>>
        %dma_start3A_81 = arith.constant 0 : i32
        %dma_start3A_82 = tpu.memref_slice %arg11[%add3A_79, %dma_start3A_81] : memref<10240x64xf32, #tpu.memory_space<vmem_shared>> -> memref<128x64xf32, #tpu.memory_space<vmem_shared>>
        %dma_start3A_83 = arith.constant 0 : i32
        %dma_start3A_84 = tpu.memref_slice %arg11[%add3A_79, %dma_start3A_83] : memref<10240x64xf32, #tpu.memory_space<vmem_shared>> -> memref<128x64xf32, #tpu.memory_space<vmem_shared>>
        tpu.enqueue_dma source(%arg7 : memref<128x64xf32, #tpu.memory_space<vmem>>) target(%dma_start3A_84 : memref<128x64xf32, #tpu.memory_space<vmem_shared>>) target_semaphore(%run_scoped3A_80 : memref<!tpu.dma_semaphore, #tpu.memory_space<semaphore_mem>>)
        %dma_wait3A_85 = arith.constant 0 : i32
        %dma_wait3A_86 = tpu.memref_slice %arg11[%add3A_79, %dma_wait3A_85] : memref<10240x64xf32, #tpu.memory_space<vmem_shared>> -> memref<128x64xf32, #tpu.memory_space<vmem_shared>>
        %dma_wait3A_87 = arith.constant 0 : i32
        %dma_wait3A_88 = tpu.memref_slice %arg11[%add3A_79, %dma_wait3A_87] : memref<10240x64xf32, #tpu.memory_space<vmem_shared>> -> memref<128x64xf32, #tpu.memory_space<vmem_shared>>
        tpu.wait_dma2 semaphore(%run_scoped3A_80 : memref<!tpu.dma_semaphore, #tpu.memory_space<semaphore_mem>>) src(%arg7 : memref<128x64xf32, #tpu.memory_space<vmem>>) dst(%dma_wait3A_88 : memref<128x64xf32, #tpu.memory_space<vmem_shared>>)
        tpu.yield
      }) : () -> ()
      "tpu.region"() ({
        %run_scoped3A_80 = tpu.sem_alloc : memref<!tpu.dma_semaphore, #tpu.memory_space<semaphore_mem>>
        %dma_start3A_81 = arith.constant 0 : i32
        %dma_start3A_82 = tpu.memref_slice %arg12[%add3A_79, %dma_start3A_81] : memref<10240x16xf32, #tpu.memory_space<vmem_shared>> -> memref<128x16xf32, #tpu.memory_space<vmem_shared>>
        %dma_start3A_83 = arith.constant 0 : i32
        %dma_start3A_84 = tpu.memref_slice %arg12[%add3A_79, %dma_start3A_83] : memref<10240x16xf32, #tpu.memory_space<vmem_shared>> -> memref<128x16xf32, #tpu.memory_space<vmem_shared>>
        tpu.enqueue_dma source(%arg10 : memref<128x16xf32, #tpu.memory_space<vmem>>) target(%dma_start3A_84 : memref<128x16xf32, #tpu.memory_space<vmem_shared>>) target_semaphore(%run_scoped3A_80 : memref<!tpu.dma_semaphore, #tpu.memory_space<semaphore_mem>>)
        %dma_wait3A_85 = arith.constant 0 : i32
        %dma_wait3A_86 = tpu.memref_slice %arg12[%add3A_79, %dma_wait3A_85] : memref<10240x16xf32, #tpu.memory_space<vmem_shared>> -> memref<128x16xf32, #tpu.memory_space<vmem_shared>>
        %dma_wait3A_87 = arith.constant 0 : i32
        %dma_wait3A_88 = tpu.memref_slice %arg12[%add3A_79, %dma_wait3A_87] : memref<10240x16xf32, #tpu.memory_space<vmem_shared>> -> memref<128x16xf32, #tpu.memory_space<vmem_shared>>
        tpu.wait_dma2 semaphore(%run_scoped3A_80 : memref<!tpu.dma_semaphore, #tpu.memory_space<semaphore_mem>>) src(%arg10 : memref<128x16xf32, #tpu.memory_space<vmem>>) dst(%dma_wait3A_88 : memref<128x16xf32, #tpu.memory_space<vmem_shared>>)
        tpu.yield
      }) : () -> ()
    }
    %scan3A_11 = arith.constant 5 : i32
    %barrier3A = arith.constant 0 : index
    tpu.barrier barrier_id(%barrier3A)
    %mul3A = arith.constant 158 : i32
    %mul3A_12 = arith.muli %arg1, %mul3A : i32
    %add3A = arith.constant 0 : i32
    %add3A_13 = arith.addi %mul3A_12, %add3A : i32
    %run_scoped3A = arith.constant 0 : i32
    "tpu.region"() ({
      %run_scoped3A_70 = tpu.sem_alloc : memref<!tpu.dma_semaphore, #tpu.memory_space<semaphore_mem>>
      %dma_start3A_71 = arith.constant 0 : i32
      %dma_start3A_72 = arith.constant 0 : i32
      %dma_start3A_73 = tpu.memref_slice %arg6[%run_scoped3A, %dma_start3A_71, %dma_start3A_72] : memref<2x2x128xi32, #tpu.memory_space<vmem>> -> memref<1x2x128xi32, #tpu.memory_space<vmem>>
      %dma_start3A_74 = tpu.memref_squeeze %dma_start3A_73 : memref<1x2x128xi32, #tpu.memory_space<vmem>> -> memref<2x128xi32, #tpu.memory_space<vmem>>
      %dma_start3A_75 = arith.constant 0 : i32
      %dma_start3A_76 = arith.constant 0 : i32
      %dma_start3A_77 = tpu.memref_slice %arg2[%add3A_13, %dma_start3A_75, %dma_start3A_76] : memref<2528x2x128xi32, #tpu.memory_space<hbm>> -> memref<1x2x128xi32, #tpu.memory_space<hbm>>
      %dma_start3A_78 = tpu.memref_squeeze %dma_start3A_77 : memref<1x2x128xi32, #tpu.memory_space<hbm>> -> memref<2x128xi32, #tpu.memory_space<hbm>>
      %dma_start3A_79 = arith.constant 0 : i32
      %dma_start3A_80 = arith.constant 0 : i32
      %dma_start3A_81 = tpu.memref_slice %arg6[%run_scoped3A, %dma_start3A_79, %dma_start3A_80] : memref<2x2x128xi32, #tpu.memory_space<vmem>> -> memref<1x2x128xi32, #tpu.memory_space<vmem>>
      %dma_start3A_82 = tpu.memref_squeeze %dma_start3A_81 : memref<1x2x128xi32, #tpu.memory_space<vmem>> -> memref<2x128xi32, #tpu.memory_space<vmem>>
      %dma_start3A_83 = arith.constant 0 : i32
      %dma_start3A_84 = arith.constant 0 : i32
      %dma_start3A_85 = tpu.memref_slice %arg2[%add3A_13, %dma_start3A_83, %dma_start3A_84] : memref<2528x2x128xi32, #tpu.memory_space<hbm>> -> memref<1x2x128xi32, #tpu.memory_space<hbm>>
      %dma_start3A_86 = tpu.memref_squeeze %dma_start3A_85 : memref<1x2x128xi32, #tpu.memory_space<hbm>> -> memref<2x128xi32, #tpu.memory_space<hbm>>
      tpu.enqueue_dma source(%dma_start3A_86 : memref<2x128xi32, #tpu.memory_space<hbm>>) target(%dma_start3A_82 : memref<2x128xi32, #tpu.memory_space<vmem>>) target_semaphore(%run_scoped3A_70 : memref<!tpu.dma_semaphore, #tpu.memory_space<semaphore_mem>>)
      %dma_wait3A_87 = arith.constant 0 : i32
      %dma_wait3A_88 = arith.constant 0 : i32
      %dma_wait3A_89 = tpu.memref_slice %arg6[%run_scoped3A, %dma_wait3A_87, %dma_wait3A_88] : memref<2x2x128xi32, #tpu.memory_space<vmem>> -> memref<1x2x128xi32, #tpu.memory_space<vmem>>
      %dma_wait3A_90 = tpu.memref_squeeze %dma_wait3A_89 : memref<1x2x128xi32, #tpu.memory_space<vmem>> -> memref<2x128xi32, #tpu.memory_space<vmem>>
      %dma_wait3A_91 = arith.constant 0 : i32
      %dma_wait3A_92 = arith.constant 0 : i32
      %dma_wait3A_93 = tpu.memref_slice %arg2[%add3A_13, %dma_wait3A_91, %dma_wait3A_92] : memref<2528x2x128xi32, #tpu.memory_space<hbm>> -> memref<1x2x128xi32, #tpu.memory_space<hbm>>
      %dma_wait3A_94 = tpu.memref_squeeze %dma_wait3A_93 : memref<1x2x128xi32, #tpu.memory_space<hbm>> -> memref<2x128xi32, #tpu.memory_space<hbm>>
      %dma_wait3A_95 = arith.constant 0 : i32
      %dma_wait3A_96 = arith.constant 0 : i32
      %dma_wait3A_97 = tpu.memref_slice %arg6[%run_scoped3A, %dma_wait3A_95, %dma_wait3A_96] : memref<2x2x128xi32, #tpu.memory_space<vmem>> -> memref<1x2x128xi32, #tpu.memory_space<vmem>>
      %dma_wait3A_98 = tpu.memref_squeeze %dma_wait3A_97 : memref<1x2x128xi32, #tpu.memory_space<vmem>> -> memref<2x128xi32, #tpu.memory_space<vmem>>
      %dma_wait3A_99 = arith.constant 0 : i32
      %dma_wait3A_100 = arith.constant 0 : i32
      %dma_wait3A_101 = tpu.memref_slice %arg2[%add3A_13, %dma_wait3A_99, %dma_wait3A_100] : memref<2528x2x128xi32, #tpu.memory_space<hbm>> -> memref<1x2x128xi32, #tpu.memory_space<hbm>>
      %dma_wait3A_102 = tpu.memref_squeeze %dma_wait3A_101 : memref<1x2x128xi32, #tpu.memory_space<hbm>> -> memref<2x128xi32, #tpu.memory_space<hbm>>
      tpu.wait_dma2 semaphore(%run_scoped3A_70 : memref<!tpu.dma_semaphore, #tpu.memory_space<semaphore_mem>>) src(%dma_wait3A_102 : memref<2x128xi32, #tpu.memory_space<hbm>>) dst(%dma_wait3A_98 : memref<2x128xi32, #tpu.memory_space<vmem>>)
      tpu.yield
    }) : () -> ()
    %dma_start3A = arith.constant 0 : i32
    %dma_start3A_14 = arith.constant 0 : i32
    %dma_start3A_15 = arith.constant 0 : i32
    %dma_start3A_16 = arith.constant 0 : i32
    %dma_start3A_17 = tpu.memref_slice %arg6[%dma_start3A, %dma_start3A_15, %dma_start3A_16] : memref<2x2x128xi32, #tpu.memory_space<vmem>> -> memref<1x2x128xi32, #tpu.memory_space<vmem>>
    %dma_start3A_18 = tpu.memref_squeeze %dma_start3A_17 : memref<1x2x128xi32, #tpu.memory_space<vmem>> -> memref<2x128xi32, #tpu.memory_space<vmem>>
    %dma_start3A_19 = arith.constant 0 : i32
    %dma_start3A_20 = tpu.memref_slice %dma_start3A_18[%dma_start3A_14, %dma_start3A_19] : memref<2x128xi32, #tpu.memory_space<vmem>> -> memref<1x128xi32, #tpu.memory_space<vmem>>
    %dma_start3A_21 = tpu.memref_squeeze %dma_start3A_20 : memref<1x128xi32, #tpu.memory_space<vmem>> -> memref<128xi32, #tpu.memory_space<vmem>>
    %dma_start3A_22 = arith.constant 0 : i32
    %dma_start3A_23 = arith.constant 0 : i32
    %dma_start3A_24 = tpu.memref_slice %arg3[%arg0, %dma_start3A_22, %dma_start3A_23] : memref<2x10000x64xf32, #tpu.memory_space<hbm>> -> memref<1x10000x64xf32, #tpu.memory_space<hbm>>
    %dma_start3A_25 = tpu.memref_squeeze %dma_start3A_24 : memref<1x10000x64xf32, #tpu.memory_space<hbm>> -> memref<10000x64xf32, #tpu.memory_space<hbm>>
    %dma_start3A_26 = arith.constant 0 : i32
    %dma_start3A_27 = arith.constant 0 : i32
    %dma_start3A_28 = tpu.memref_slice %dma_start3A_25[%dma_start3A_26, %dma_start3A_27] : memref<10000x64xf32, #tpu.memory_space<hbm>> -> memref<10000x64xf32, #tpu.memory_space<hbm>>
    tpu.enqueue_indirect_dma source(%dma_start3A_28 : memref<10000x64xf32, #tpu.memory_space<hbm>>) target(%arg7 : memref<128x64xf32, #tpu.memory_space<vmem>>) offsets(%dma_start3A_21 : memref<128xi32, #tpu.memory_space<vmem>>) semaphore(%arg13 : memref<!tpu.dma_semaphore, #tpu.memory_space<semaphore_mem>>)
    %scan3A_29 = arith.constant 0 : i32
    %scan3A_30 = arith.constant 79 : i32
    %scan3A_31 = arith.addi %scan3A_29, %scan3A_30 : i32
    %scan3A_32 = arith.constant 1 : i32
    scf.for %scan3A_70 = %scan3A_29 to %scan3A_31 step %scan3A_32  : i32 {
      %mul3A_71 = arith.constant 2 : i32
      %mul3A_72 = arith.muli %scan3A_70, %mul3A_71 : i32
      %add3A_73 = arith.constant 0 : i32
      %add3A_74 = arith.addi %add3A_73, %mul3A_72 : i32
      %gt3A = arith.constant 0 : i32
      %gt3A_75 = arith.cmpi sgt, %add3A_74, %gt3A : i32
      %convert_element_type3A_76 = arith.extui %gt3A_75 : i1 to i32
      %cond3A_77 = arith.constant 0 : i32
      %cond3A_78 = arith.cmpi ne, %convert_element_type3A_76, %cond3A_77 : i32
      scf.if %cond3A_78 {
        %dma_wait3A_171 = arith.constant 1 : i32
        %dma_wait3A_172 = arith.constant 1 : i32
        %dma_wait3A_173 = arith.constant 0 : i32
        %dma_wait3A_174 = arith.constant 0 : i32
        %dma_wait3A_175 = tpu.memref_slice %arg6[%dma_wait3A_171, %dma_wait3A_173, %dma_wait3A_174] : memref<2x2x128xi32, #tpu.memory_space<vmem>> -> memref<1x2x128xi32, #tpu.memory_space<vmem>>
        %dma_wait3A_176 = tpu.memref_squeeze %dma_wait3A_175 : memref<1x2x128xi32, #tpu.memory_space<vmem>> -> memref<2x128xi32, #tpu.memory_space<vmem>>
        %dma_wait3A_177 = arith.constant 0 : i32
        %dma_wait3A_178 = tpu.memref_slice %dma_wait3A_176[%dma_wait3A_172, %dma_wait3A_177] : memref<2x128xi32, #tpu.memory_space<vmem>> -> memref<1x128xi32, #tpu.memory_space<vmem>>
        %dma_wait3A_179 = tpu.memref_squeeze %dma_wait3A_178 : memref<1x128xi32, #tpu.memory_space<vmem>> -> memref<128xi32, #tpu.memory_space<vmem>>
        %dma_wait3A_180 = arith.constant 0 : i32
        %dma_wait3A_181 = arith.constant 0 : i32
        %dma_wait3A_182 = tpu.memref_slice %arg11[%dma_wait3A_180, %dma_wait3A_181] : memref<10240x64xf32, #tpu.memory_space<vmem_shared>> -> memref<10240x64xf32, #tpu.memory_space<vmem_shared>>
        tpu.wait_indirect_dma semaphore(%arg16 : memref<!tpu.dma_semaphore, #tpu.memory_space<semaphore_mem>>) src(%arg8 : memref<128x64xf32, #tpu.memory_space<vmem>>) dst(%dma_wait3A_182 : memref<10240x64xf32, #tpu.memory_space<vmem_shared>>)
        %eq3A_183 = arith.constant 0 : i32
        %eq3A_184 = arith.cmpi eq, %arg0, %eq3A_183 : i32
        %convert_element_type3A_185 = arith.extui %eq3A_184 : i1 to i32
        %cond3A_186 = arith.constant 0 : i32
        %cond3A_187 = arith.cmpi ne, %convert_element_type3A_185, %cond3A_186 : i32
        scf.if %cond3A_187 {
          %dma_wait3A_188 = arith.constant 1 : i32
          %dma_wait3A_189 = arith.constant 1 : i32
          %dma_wait3A_190 = arith.constant 0 : i32
          %dma_wait3A_191 = arith.constant 0 : i32
          %dma_wait3A_192 = tpu.memref_slice %arg6[%dma_wait3A_188, %dma_wait3A_190, %dma_wait3A_191] : memref<2x2x128xi32, #tpu.memory_space<vmem>> -> memref<1x2x128xi32, #tpu.memory_space<vmem>>
          %dma_wait3A_193 = tpu.memref_squeeze %dma_wait3A_192 : memref<1x2x128xi32, #tpu.memory_space<vmem>> -> memref<2x128xi32, #tpu.memory_space<vmem>>
          %dma_wait3A_194 = arith.constant 0 : i32
          %dma_wait3A_195 = tpu.memref_slice %dma_wait3A_193[%dma_wait3A_189, %dma_wait3A_194] : memref<2x128xi32, #tpu.memory_space<vmem>> -> memref<1x128xi32, #tpu.memory_space<vmem>>
          %dma_wait3A_196 = tpu.memref_squeeze %dma_wait3A_195 : memref<1x128xi32, #tpu.memory_space<vmem>> -> memref<128xi32, #tpu.memory_space<vmem>>
          %dma_wait3A_197 = arith.constant 0 : i32
          %dma_wait3A_198 = arith.constant 0 : i32
          %dma_wait3A_199 = tpu.memref_slice %arg12[%dma_wait3A_197, %dma_wait3A_198] : memref<10240x16xf32, #tpu.memory_space<vmem_shared>> -> memref<10240x16xf32, #tpu.memory_space<vmem_shared>>
          tpu.wait_indirect_dma semaphore(%arg16 : memref<!tpu.dma_semaphore, #tpu.memory_space<semaphore_mem>>) src(%arg9 : memref<128x16xf32, #tpu.memory_space<vmem>>) dst(%dma_wait3A_199 : memref<10240x16xf32, #tpu.memory_space<vmem_shared>>)
        } else {
        }
      } else {
      }
      %add3A_79 = arith.constant 1 : i32
      %add3A_80 = arith.addi %add3A_74, %add3A_79 : i32
      %add3A_81 = arith.addi %mul3A_12, %add3A_80 : i32
      %run_scoped3A_82 = arith.constant 1 : i32
      "tpu.region"() ({
        %run_scoped3A_171 = tpu.sem_alloc : memref<!tpu.dma_semaphore, #tpu.memory_space<semaphore_mem>>
        %dma_start3A_172 = arith.constant 0 : i32
        %dma_start3A_173 = arith.constant 0 : i32
        %dma_start3A_174 = tpu.memref_slice %arg6[%run_scoped3A_82, %dma_start3A_172, %dma_start3A_173] : memref<2x2x128xi32, #tpu.memory_space<vmem>> -> memref<1x2x128xi32, #tpu.memory_space<vmem>>
        %dma_start3A_175 = tpu.memref_squeeze %dma_start3A_174 : memref<1x2x128xi32, #tpu.memory_space<vmem>> -> memref<2x128xi32, #tpu.memory_space<vmem>>
        %dma_start3A_176 = arith.constant 0 : i32
        %dma_start3A_177 = arith.constant 0 : i32
        %dma_start3A_178 = tpu.memref_slice %arg2[%add3A_81, %dma_start3A_176, %dma_start3A_177] : memref<2528x2x128xi32, #tpu.memory_space<hbm>> -> memref<1x2x128xi32, #tpu.memory_space<hbm>>
        %dma_start3A_179 = tpu.memref_squeeze %dma_start3A_178 : memref<1x2x128xi32, #tpu.memory_space<hbm>> -> memref<2x128xi32, #tpu.memory_space<hbm>>
        %dma_start3A_180 = arith.constant 0 : i32
        %dma_start3A_181 = arith.constant 0 : i32
        %dma_start3A_182 = tpu.memref_slice %arg6[%run_scoped3A_82, %dma_start3A_180, %dma_start3A_181] : memref<2x2x128xi32, #tpu.memory_space<vmem>> -> memref<1x2x128xi32, #tpu.memory_space<vmem>>
        %dma_start3A_183 = tpu.memref_squeeze %dma_start3A_182 : memref<1x2x128xi32, #tpu.memory_space<vmem>> -> memref<2x128xi32, #tpu.memory_space<vmem>>
        %dma_start3A_184 = arith.constant 0 : i32
        %dma_start3A_185 = arith.constant 0 : i32
        %dma_start3A_186 = tpu.memref_slice %arg2[%add3A_81, %dma_start3A_184, %dma_start3A_185] : memref<2528x2x128xi32, #tpu.memory_space<hbm>> -> memref<1x2x128xi32, #tpu.memory_space<hbm>>
        %dma_start3A_187 = tpu.memref_squeeze %dma_start3A_186 : memref<1x2x128xi32, #tpu.memory_space<hbm>> -> memref<2x128xi32, #tpu.memory_space<hbm>>
        tpu.enqueue_dma source(%dma_start3A_187 : memref<2x128xi32, #tpu.memory_space<hbm>>) target(%dma_start3A_183 : memref<2x128xi32, #tpu.memory_space<vmem>>) target_semaphore(%run_scoped3A_171 : memref<!tpu.dma_semaphore, #tpu.memory_space<semaphore_mem>>)
        %dma_wait3A_188 = arith.constant 0 : i32
        %dma_wait3A_189 = arith.constant 0 : i32
        %dma_wait3A_190 = tpu.memref_slice %arg6[%run_scoped3A_82, %dma_wait3A_188, %dma_wait3A_189] : memref<2x2x128xi32, #tpu.memory_space<vmem>> -> memref<1x2x128xi32, #tpu.memory_space<vmem>>
        %dma_wait3A_191 = tpu.memref_squeeze %dma_wait3A_190 : memref<1x2x128xi32, #tpu.memory_space<vmem>> -> memref<2x128xi32, #tpu.memory_space<vmem>>
        %dma_wait3A_192 = arith.constant 0 : i32
        %dma_wait3A_193 = arith.constant 0 : i32
        %dma_wait3A_194 = tpu.memref_slice %arg2[%add3A_81, %dma_wait3A_192, %dma_wait3A_193] : memref<2528x2x128xi32, #tpu.memory_space<hbm>> -> memref<1x2x128xi32, #tpu.memory_space<hbm>>
        %dma_wait3A_195 = tpu.memref_squeeze %dma_wait3A_194 : memref<1x2x128xi32, #tpu.memory_space<hbm>> -> memref<2x128xi32, #tpu.memory_space<hbm>>
        %dma_wait3A_196 = arith.constant 0 : i32
        %dma_wait3A_197 = arith.constant 0 : i32
        %dma_wait3A_198 = tpu.memref_slice %arg6[%run_scoped3A_82, %dma_wait3A_196, %dma_wait3A_197] : memref<2x2x128xi32, #tpu.memory_space<vmem>> -> memref<1x2x128xi32, #tpu.memory_space<vmem>>
        %dma_wait3A_199 = tpu.memref_squeeze %dma_wait3A_198 : memref<1x2x128xi32, #tpu.memory_space<vmem>> -> memref<2x128xi32, #tpu.memory_space<vmem>>
        %dma_wait3A_200 = arith.constant 0 : i32
        %dma_wait3A_201 = arith.constant 0 : i32
        %dma_wait3A_202 = tpu.memref_slice %arg2[%add3A_81, %dma_wait3A_200, %dma_wait3A_201] : memref<2528x2x128xi32, #tpu.memory_space<hbm>> -> memref<1x2x128xi32, #tpu.memory_space<hbm>>
        %dma_wait3A_203 = tpu.memref_squeeze %dma_wait3A_202 : memref<1x2x128xi32, #tpu.memory_space<hbm>> -> memref<2x128xi32, #tpu.memory_space<hbm>>
        tpu.wait_dma2 semaphore(%run_scoped3A_171 : memref<!tpu.dma_semaphore, #tpu.memory_space<semaphore_mem>>) src(%dma_wait3A_203 : memref<2x128xi32, #tpu.memory_space<hbm>>) dst(%dma_wait3A_199 : memref<2x128xi32, #tpu.memory_space<vmem>>)
        tpu.yield
      }) : () -> ()
      %dma_start3A_83 = arith.constant 1 : i32
      %dma_start3A_84 = arith.constant 0 : i32
      %dma_start3A_85 = arith.constant 0 : i32
      %dma_start3A_86 = arith.constant 0 : i32
      %dma_start3A_87 = tpu.memref_slice %arg6[%dma_start3A_83, %dma_start3A_85, %dma_start3A_86] : memref<2x2x128xi32, #tpu.memory_space<vmem>> -> memref<1x2x128xi32, #tpu.memory_space<vmem>>
      %dma_start3A_88 = tpu.memref_squeeze %dma_start3A_87 : memref<1x2x128xi32, #tpu.memory_space<vmem>> -> memref<2x128xi32, #tpu.memory_space<vmem>>
      %dma_start3A_89 = arith.constant 0 : i32
      %dma_start3A_90 = tpu.memref_slice %dma_start3A_88[%dma_start3A_84, %dma_start3A_89] : memref<2x128xi32, #tpu.memory_space<vmem>> -> memref<1x128xi32, #tpu.memory_space<vmem>>
      %dma_start3A_91 = tpu.memref_squeeze %dma_start3A_90 : memref<1x128xi32, #tpu.memory_space<vmem>> -> memref<128xi32, #tpu.memory_space<vmem>>
      %dma_start3A_92 = arith.constant 0 : i32
      %dma_start3A_93 = arith.constant 0 : i32
      %dma_start3A_94 = tpu.memref_slice %arg3[%arg0, %dma_start3A_92, %dma_start3A_93] : memref<2x10000x64xf32, #tpu.memory_space<hbm>> -> memref<1x10000x64xf32, #tpu.memory_space<hbm>>
      %dma_start3A_95 = tpu.memref_squeeze %dma_start3A_94 : memref<1x10000x64xf32, #tpu.memory_space<hbm>> -> memref<10000x64xf32, #tpu.memory_space<hbm>>
      %dma_start3A_96 = arith.constant 0 : i32
      %dma_start3A_97 = arith.constant 0 : i32
      %dma_start3A_98 = tpu.memref_slice %dma_start3A_95[%dma_start3A_96, %dma_start3A_97] : memref<10000x64xf32, #tpu.memory_space<hbm>> -> memref<10000x64xf32, #tpu.memory_space<hbm>>
      tpu.enqueue_indirect_dma source(%dma_start3A_98 : memref<10000x64xf32, #tpu.memory_space<hbm>>) target(%arg8 : memref<128x64xf32, #tpu.memory_space<vmem>>) offsets(%dma_start3A_91 : memref<128xi32, #tpu.memory_space<vmem>>) semaphore(%arg14 : memref<!tpu.dma_semaphore, #tpu.memory_space<semaphore_mem>>)
      %dma_wait3A_99 = arith.constant 0 : i32
      %dma_wait3A_100 = arith.constant 0 : i32
      %dma_wait3A_101 = arith.constant 0 : i32
      %dma_wait3A_102 = arith.constant 0 : i32
      %dma_wait3A_103 = tpu.memref_slice %arg6[%dma_wait3A_99, %dma_wait3A_101, %dma_wait3A_102] : memref<2x2x128xi32, #tpu.memory_space<vmem>> -> memref<1x2x128xi32, #tpu.memory_space<vmem>>
      %dma_wait3A_104 = tpu.memref_squeeze %dma_wait3A_103 : memref<1x2x128xi32, #tpu.memory_space<vmem>> -> memref<2x128xi32, #tpu.memory_space<vmem>>
      %dma_wait3A_105 = arith.constant 0 : i32
      %dma_wait3A_106 = tpu.memref_slice %dma_wait3A_104[%dma_wait3A_100, %dma_wait3A_105] : memref<2x128xi32, #tpu.memory_space<vmem>> -> memref<1x128xi32, #tpu.memory_space<vmem>>
      %dma_wait3A_107 = tpu.memref_squeeze %dma_wait3A_106 : memref<1x128xi32, #tpu.memory_space<vmem>> -> memref<128xi32, #tpu.memory_space<vmem>>
      %dma_wait3A_108 = arith.constant 0 : i32
      %dma_wait3A_109 = arith.constant 0 : i32
      %dma_wait3A_110 = tpu.memref_slice %arg3[%arg0, %dma_wait3A_108, %dma_wait3A_109] : memref<2x10000x64xf32, #tpu.memory_space<hbm>> -> memref<1x10000x64xf32, #tpu.memory_space<hbm>>
      %dma_wait3A_111 = tpu.memref_squeeze %dma_wait3A_110 : memref<1x10000x64xf32, #tpu.memory_space<hbm>> -> memref<10000x64xf32, #tpu.memory_space<hbm>>
      %dma_wait3A_112 = arith.constant 0 : i32
      %dma_wait3A_113 = arith.constant 0 : i32
      %dma_wait3A_114 = tpu.memref_slice %dma_wait3A_111[%dma_wait3A_112, %dma_wait3A_113] : memref<10000x64xf32, #tpu.memory_space<hbm>> -> memref<10000x64xf32, #tpu.memory_space<hbm>>
      tpu.wait_indirect_dma semaphore(%arg13 : memref<!tpu.dma_semaphore, #tpu.memory_space<semaphore_mem>>) src(%dma_wait3A_114 : memref<10000x64xf32, #tpu.memory_space<hbm>>) dst(%arg7 : memref<128x64xf32, #tpu.memory_space<vmem>>)
      %dma_start3A_115 = arith.constant 0 : i32
      %dma_start3A_116 = arith.constant 1 : i32
      %dma_start3A_117 = arith.constant 0 : i32
      %dma_start3A_118 = arith.constant 0 : i32
      %dma_start3A_119 = tpu.memref_slice %arg6[%dma_start3A_115, %dma_start3A_117, %dma_start3A_118] : memref<2x2x128xi32, #tpu.memory_space<vmem>> -> memref<1x2x128xi32, #tpu.memory_space<vmem>>
      %dma_start3A_120 = tpu.memref_squeeze %dma_start3A_119 : memref<1x2x128xi32, #tpu.memory_space<vmem>> -> memref<2x128xi32, #tpu.memory_space<vmem>>
      %dma_start3A_121 = arith.constant 0 : i32
      %dma_start3A_122 = tpu.memref_slice %dma_start3A_120[%dma_start3A_116, %dma_start3A_121] : memref<2x128xi32, #tpu.memory_space<vmem>> -> memref<1x128xi32, #tpu.memory_space<vmem>>
      %dma_start3A_123 = tpu.memref_squeeze %dma_start3A_122 : memref<1x128xi32, #tpu.memory_space<vmem>> -> memref<128xi32, #tpu.memory_space<vmem>>
      %dma_start3A_124 = arith.constant 0 : i32
      %dma_start3A_125 = arith.constant 0 : i32
      %dma_start3A_126 = tpu.memref_slice %arg11[%dma_start3A_124, %dma_start3A_125] : memref<10240x64xf32, #tpu.memory_space<vmem_shared>> -> memref<10240x64xf32, #tpu.memory_space<vmem_shared>>
      tpu.enqueue_indirect_dma source(%arg7 : memref<128x64xf32, #tpu.memory_space<vmem>>) target(%dma_start3A_126 : memref<10240x64xf32, #tpu.memory_space<vmem_shared>>) offsets(%dma_start3A_123 : memref<128xi32, #tpu.memory_space<vmem>>) semaphore(%arg15 : memref<!tpu.dma_semaphore, #tpu.memory_space<semaphore_mem>>) {add = true}
      %eq3A_127 = arith.constant 0 : i32
      %eq3A_128 = arith.cmpi eq, %arg0, %eq3A_127 : i32
      %convert_element_type3A_129 = arith.extui %eq3A_128 : i1 to i32
      %cond3A_130 = arith.constant 0 : i32
      %cond3A_131 = arith.cmpi ne, %convert_element_type3A_129, %cond3A_130 : i32
      scf.if %cond3A_131 {
        %dma_start3A_171 = arith.constant 0 : i32
        %dma_start3A_172 = arith.constant 1 : i32
        %dma_start3A_173 = arith.constant 0 : i32
        %dma_start3A_174 = arith.constant 0 : i32
        %dma_start3A_175 = tpu.memref_slice %arg6[%dma_start3A_171, %dma_start3A_173, %dma_start3A_174] : memref<2x2x128xi32, #tpu.memory_space<vmem>> -> memref<1x2x128xi32, #tpu.memory_space<vmem>>
        %dma_start3A_176 = tpu.memref_squeeze %dma_start3A_175 : memref<1x2x128xi32, #tpu.memory_space<vmem>> -> memref<2x128xi32, #tpu.memory_space<vmem>>
        %dma_start3A_177 = arith.constant 0 : i32
        %dma_start3A_178 = tpu.memref_slice %dma_start3A_176[%dma_start3A_172, %dma_start3A_177] : memref<2x128xi32, #tpu.memory_space<vmem>> -> memref<1x128xi32, #tpu.memory_space<vmem>>
        %dma_start3A_179 = tpu.memref_squeeze %dma_start3A_178 : memref<1x128xi32, #tpu.memory_space<vmem>> -> memref<128xi32, #tpu.memory_space<vmem>>
        %dma_start3A_180 = arith.constant 0 : i32
        %dma_start3A_181 = arith.constant 0 : i32
        %dma_start3A_182 = tpu.memref_slice %arg12[%dma_start3A_180, %dma_start3A_181] : memref<10240x16xf32, #tpu.memory_space<vmem_shared>> -> memref<10240x16xf32, #tpu.memory_space<vmem_shared>>
        tpu.enqueue_indirect_dma source(%arg9 : memref<128x16xf32, #tpu.memory_space<vmem>>) target(%dma_start3A_182 : memref<10240x16xf32, #tpu.memory_space<vmem_shared>>) offsets(%dma_start3A_179 : memref<128xi32, #tpu.memory_space<vmem>>) semaphore(%arg15 : memref<!tpu.dma_semaphore, #tpu.memory_space<semaphore_mem>>) {add = true}
      } else {
      }
      %add3A_132 = arith.constant 2 : i32
      %add3A_133 = arith.addi %add3A_74, %add3A_132 : i32
      %lt3A = arith.constant 158 : i32
      %lt3A_134 = arith.cmpi slt, %add3A_133, %lt3A : i32
      %convert_element_type3A_135 = arith.extui %lt3A_134 : i1 to i32
      %cond3A_136 = arith.constant 0 : i32
      %cond3A_137 = arith.cmpi ne, %convert_element_type3A_135, %cond3A_136 : i32
      scf.if %cond3A_137 {
        %dma_wait3A_171 = arith.constant 0 : i32
        %dma_wait3A_172 = arith.constant 1 : i32
        %dma_wait3A_173 = arith.constant 0 : i32
        %dma_wait3A_174 = arith.constant 0 : i32
        %dma_wait3A_175 = tpu.memref_slice %arg6[%dma_wait3A_171, %dma_wait3A_173, %dma_wait3A_174] : memref<2x2x128xi32, #tpu.memory_space<vmem>> -> memref<1x2x128xi32, #tpu.memory_space<vmem>>
        %dma_wait3A_176 = tpu.memref_squeeze %dma_wait3A_175 : memref<1x2x128xi32, #tpu.memory_space<vmem>> -> memref<2x128xi32, #tpu.memory_space<vmem>>
        %dma_wait3A_177 = arith.constant 0 : i32
        %dma_wait3A_178 = tpu.memref_slice %dma_wait3A_176[%dma_wait3A_172, %dma_wait3A_177] : memref<2x128xi32, #tpu.memory_space<vmem>> -> memref<1x128xi32, #tpu.memory_space<vmem>>
        %dma_wait3A_179 = tpu.memref_squeeze %dma_wait3A_178 : memref<1x128xi32, #tpu.memory_space<vmem>> -> memref<128xi32, #tpu.memory_space<vmem>>
        %dma_wait3A_180 = arith.constant 0 : i32
        %dma_wait3A_181 = arith.constant 0 : i32
        %dma_wait3A_182 = tpu.memref_slice %arg11[%dma_wait3A_180, %dma_wait3A_181] : memref<10240x64xf32, #tpu.memory_space<vmem_shared>> -> memref<10240x64xf32, #tpu.memory_space<vmem_shared>>
        tpu.wait_indirect_dma semaphore(%arg15 : memref<!tpu.dma_semaphore, #tpu.memory_space<semaphore_mem>>) src(%arg7 : memref<128x64xf32, #tpu.memory_space<vmem>>) dst(%dma_wait3A_182 : memref<10240x64xf32, #tpu.memory_space<vmem_shared>>)
        %eq3A_183 = arith.constant 0 : i32
        %eq3A_184 = arith.cmpi eq, %arg0, %eq3A_183 : i32
        %convert_element_type3A_185 = arith.extui %eq3A_184 : i1 to i32
        %cond3A_186 = arith.constant 0 : i32
        %cond3A_187 = arith.cmpi ne, %convert_element_type3A_185, %cond3A_186 : i32
        scf.if %cond3A_187 {
          %dma_wait3A_208 = arith.constant 0 : i32
          %dma_wait3A_209 = arith.constant 1 : i32
          %dma_wait3A_210 = arith.constant 0 : i32
          %dma_wait3A_211 = arith.constant 0 : i32
          %dma_wait3A_212 = tpu.memref_slice %arg6[%dma_wait3A_208, %dma_wait3A_210, %dma_wait3A_211] : memref<2x2x128xi32, #tpu.memory_space<vmem>> -> memref<1x2x128xi32, #tpu.memory_space<vmem>>
          %dma_wait3A_213 = tpu.memref_squeeze %dma_wait3A_212 : memref<1x2x128xi32, #tpu.memory_space<vmem>> -> memref<2x128xi32, #tpu.memory_space<vmem>>
          %dma_wait3A_214 = arith.constant 0 : i32
          %dma_wait3A_215 = tpu.memref_slice %dma_wait3A_213[%dma_wait3A_209, %dma_wait3A_214] : memref<2x128xi32, #tpu.memory_space<vmem>> -> memref<1x128xi32, #tpu.memory_space<vmem>>
          %dma_wait3A_216 = tpu.memref_squeeze %dma_wait3A_215 : memref<1x128xi32, #tpu.memory_space<vmem>> -> memref<128xi32, #tpu.memory_space<vmem>>
          %dma_wait3A_217 = arith.constant 0 : i32
          %dma_wait3A_218 = arith.constant 0 : i32
          %dma_wait3A_219 = tpu.memref_slice %arg12[%dma_wait3A_217, %dma_wait3A_218] : memref<10240x16xf32, #tpu.memory_space<vmem_shared>> -> memref<10240x16xf32, #tpu.memory_space<vmem_shared>>
          tpu.wait_indirect_dma semaphore(%arg15 : memref<!tpu.dma_semaphore, #tpu.memory_space<semaphore_mem>>) src(%arg9 : memref<128x16xf32, #tpu.memory_space<vmem>>) dst(%dma_wait3A_219 : memref<10240x16xf32, #tpu.memory_space<vmem_shared>>)
        } else {
        }
        %add3A_188 = arith.constant 2 : i32
        %add3A_189 = arith.addi %add3A_74, %add3A_188 : i32
        %add3A_190 = arith.addi %mul3A_12, %add3A_189 : i32
        %run_scoped3A_191 = arith.constant 0 : i32
        "tpu.region"() ({
          %run_scoped3A_208 = tpu.sem_alloc : memref<!tpu.dma_semaphore, #tpu.memory_space<semaphore_mem>>
          %dma_start3A_209 = arith.constant 0 : i32
          %dma_start3A_210 = arith.constant 0 : i32
          %dma_start3A_211 = tpu.memref_slice %arg6[%run_scoped3A_191, %dma_start3A_209, %dma_start3A_210] : memref<2x2x128xi32, #tpu.memory_space<vmem>> -> memref<1x2x128xi32, #tpu.memory_space<vmem>>
          %dma_start3A_212 = tpu.memref_squeeze %dma_start3A_211 : memref<1x2x128xi32, #tpu.memory_space<vmem>> -> memref<2x128xi32, #tpu.memory_space<vmem>>
          %dma_start3A_213 = arith.constant 0 : i32
          %dma_start3A_214 = arith.constant 0 : i32
          %dma_start3A_215 = tpu.memref_slice %arg2[%add3A_190, %dma_start3A_213, %dma_start3A_214] : memref<2528x2x128xi32, #tpu.memory_space<hbm>> -> memref<1x2x128xi32, #tpu.memory_space<hbm>>
          %dma_start3A_216 = tpu.memref_squeeze %dma_start3A_215 : memref<1x2x128xi32, #tpu.memory_space<hbm>> -> memref<2x128xi32, #tpu.memory_space<hbm>>
          %dma_start3A_217 = arith.constant 0 : i32
          %dma_start3A_218 = arith.constant 0 : i32
          %dma_start3A_219 = tpu.memref_slice %arg6[%run_scoped3A_191, %dma_start3A_217, %dma_start3A_218] : memref<2x2x128xi32, #tpu.memory_space<vmem>> -> memref<1x2x128xi32, #tpu.memory_space<vmem>>
          %dma_start3A_220 = tpu.memref_squeeze %dma_start3A_219 : memref<1x2x128xi32, #tpu.memory_space<vmem>> -> memref<2x128xi32, #tpu.memory_space<vmem>>
          %dma_start3A_221 = arith.constant 0 : i32
          %dma_start3A_222 = arith.constant 0 : i32
          %dma_start3A_223 = tpu.memref_slice %arg2[%add3A_190, %dma_start3A_221, %dma_start3A_222] : memref<2528x2x128xi32, #tpu.memory_space<hbm>> -> memref<1x2x128xi32, #tpu.memory_space<hbm>>
          %dma_start3A_224 = tpu.memref_squeeze %dma_start3A_223 : memref<1x2x128xi32, #tpu.memory_space<hbm>> -> memref<2x128xi32, #tpu.memory_space<hbm>>
          tpu.enqueue_dma source(%dma_start3A_224 : memref<2x128xi32, #tpu.memory_space<hbm>>) target(%dma_start3A_220 : memref<2x128xi32, #tpu.memory_space<vmem>>) target_semaphore(%run_scoped3A_208 : memref<!tpu.dma_semaphore, #tpu.memory_space<semaphore_mem>>)
          %dma_wait3A_225 = arith.constant 0 : i32
          %dma_wait3A_226 = arith.constant 0 : i32
          %dma_wait3A_227 = tpu.memref_slice %arg6[%run_scoped3A_191, %dma_wait3A_225, %dma_wait3A_226] : memref<2x2x128xi32, #tpu.memory_space<vmem>> -> memref<1x2x128xi32, #tpu.memory_space<vmem>>
          %dma_wait3A_228 = tpu.memref_squeeze %dma_wait3A_227 : memref<1x2x128xi32, #tpu.memory_space<vmem>> -> memref<2x128xi32, #tpu.memory_space<vmem>>
          %dma_wait3A_229 = arith.constant 0 : i32
          %dma_wait3A_230 = arith.constant 0 : i32
          %dma_wait3A_231 = tpu.memref_slice %arg2[%add3A_190, %dma_wait3A_229, %dma_wait3A_230] : memref<2528x2x128xi32, #tpu.memory_space<hbm>> -> memref<1x2x128xi32, #tpu.memory_space<hbm>>
          %dma_wait3A_232 = tpu.memref_squeeze %dma_wait3A_231 : memref<1x2x128xi32, #tpu.memory_space<hbm>> -> memref<2x128xi32, #tpu.memory_space<hbm>>
          %dma_wait3A_233 = arith.constant 0 : i32
          %dma_wait3A_234 = arith.constant 0 : i32
          %dma_wait3A_235 = tpu.memref_slice %arg6[%run_scoped3A_191, %dma_wait3A_233, %dma_wait3A_234] : memref<2x2x128xi32, #tpu.memory_space<vmem>> -> memref<1x2x128xi32, #tpu.memory_space<vmem>>
          %dma_wait3A_236 = tpu.memref_squeeze %dma_wait3A_235 : memref<1x2x128xi32, #tpu.memory_space<vmem>> -> memref<2x128xi32, #tpu.memory_space<vmem>>
          %dma_wait3A_237 = arith.constant 0 : i32
          %dma_wait3A_238 = arith.constant 0 : i32
          %dma_wait3A_239 = tpu.memref_slice %arg2[%add3A_190, %dma_wait3A_237, %dma_wait3A_238] : memref<2528x2x128xi32, #tpu.memory_space<hbm>> -> memref<1x2x128xi32, #tpu.memory_space<hbm>>
          %dma_wait3A_240 = tpu.memref_squeeze %dma_wait3A_239 : memref<1x2x128xi32, #tpu.memory_space<hbm>> -> memref<2x128xi32, #tpu.memory_space<hbm>>
          tpu.wait_dma2 semaphore(%run_scoped3A_208 : memref<!tpu.dma_semaphore, #tpu.memory_space<semaphore_mem>>) src(%dma_wait3A_240 : memref<2x128xi32, #tpu.memory_space<hbm>>) dst(%dma_wait3A_236 : memref<2x128xi32, #tpu.memory_space<vmem>>)
          tpu.yield
        }) : () -> ()
        %dma_start3A_192 = arith.constant 0 : i32
        %dma_start3A_193 = arith.constant 0 : i32
        %dma_start3A_194 = arith.constant 0 : i32
        %dma_start3A_195 = arith.constant 0 : i32
        %dma_start3A_196 = tpu.memref_slice %arg6[%dma_start3A_192, %dma_start3A_194, %dma_start3A_195] : memref<2x2x128xi32, #tpu.memory_space<vmem>> -> memref<1x2x128xi32, #tpu.memory_space<vmem>>
        %dma_start3A_197 = tpu.memref_squeeze %dma_start3A_196 : memref<1x2x128xi32, #tpu.memory_space<vmem>> -> memref<2x128xi32, #tpu.memory_space<vmem>>
        %dma_start3A_198 = arith.constant 0 : i32
        %dma_start3A_199 = tpu.memref_slice %dma_start3A_197[%dma_start3A_193, %dma_start3A_198] : memref<2x128xi32, #tpu.memory_space<vmem>> -> memref<1x128xi32, #tpu.memory_space<vmem>>
        %dma_start3A_200 = tpu.memref_squeeze %dma_start3A_199 : memref<1x128xi32, #tpu.memory_space<vmem>> -> memref<128xi32, #tpu.memory_space<vmem>>
        %dma_start3A_201 = arith.constant 0 : i32
        %dma_start3A_202 = arith.constant 0 : i32
        %dma_start3A_203 = tpu.memref_slice %arg3[%arg0, %dma_start3A_201, %dma_start3A_202] : memref<2x10000x64xf32, #tpu.memory_space<hbm>> -> memref<1x10000x64xf32, #tpu.memory_space<hbm>>
        %dma_start3A_204 = tpu.memref_squeeze %dma_start3A_203 : memref<1x10000x64xf32, #tpu.memory_space<hbm>> -> memref<10000x64xf32, #tpu.memory_space<hbm>>
        %dma_start3A_205 = arith.constant 0 : i32
        %dma_start3A_206 = arith.constant 0 : i32
        %dma_start3A_207 = tpu.memref_slice %dma_start3A_204[%dma_start3A_205, %dma_start3A_206] : memref<10000x64xf32, #tpu.memory_space<hbm>> -> memref<10000x64xf32, #tpu.memory_space<hbm>>
        tpu.enqueue_indirect_dma source(%dma_start3A_207 : memref<10000x64xf32, #tpu.memory_space<hbm>>) target(%arg7 : memref<128x64xf32, #tpu.memory_space<vmem>>) offsets(%dma_start3A_200 : memref<128xi32, #tpu.memory_space<vmem>>) semaphore(%arg13 : memref<!tpu.dma_semaphore, #tpu.memory_space<semaphore_mem>>)
      } else {
      }
      %dma_wait3A_138 = arith.constant 1 : i32
      %dma_wait3A_139 = arith.constant 0 : i32
      %dma_wait3A_140 = arith.constant 0 : i32
      %dma_wait3A_141 = arith.constant 0 : i32
      %dma_wait3A_142 = tpu.memref_slice %arg6[%dma_wait3A_138, %dma_wait3A_140, %dma_wait3A_141] : memref<2x2x128xi32, #tpu.memory_space<vmem>> -> memref<1x2x128xi32, #tpu.memory_space<vmem>>
      %dma_wait3A_143 = tpu.memref_squeeze %dma_wait3A_142 : memref<1x2x128xi32, #tpu.memory_space<vmem>> -> memref<2x128xi32, #tpu.memory_space<vmem>>
      %dma_wait3A_144 = arith.constant 0 : i32
      %dma_wait3A_145 = tpu.memref_slice %dma_wait3A_143[%dma_wait3A_139, %dma_wait3A_144] : memref<2x128xi32, #tpu.memory_space<vmem>> -> memref<1x128xi32, #tpu.memory_space<vmem>>
      %dma_wait3A_146 = tpu.memref_squeeze %dma_wait3A_145 : memref<1x128xi32, #tpu.memory_space<vmem>> -> memref<128xi32, #tpu.memory_space<vmem>>
      %dma_wait3A_147 = arith.constant 0 : i32
      %dma_wait3A_148 = arith.constant 0 : i32
      %dma_wait3A_149 = tpu.memref_slice %arg3[%arg0, %dma_wait3A_147, %dma_wait3A_148] : memref<2x10000x64xf32, #tpu.memory_space<hbm>> -> memref<1x10000x64xf32, #tpu.memory_space<hbm>>
      %dma_wait3A_150 = tpu.memref_squeeze %dma_wait3A_149 : memref<1x10000x64xf32, #tpu.memory_space<hbm>> -> memref<10000x64xf32, #tpu.memory_space<hbm>>
      %dma_wait3A_151 = arith.constant 0 : i32
      %dma_wait3A_152 = arith.constant 0 : i32
      %dma_wait3A_153 = tpu.memref_slice %dma_wait3A_150[%dma_wait3A_151, %dma_wait3A_152] : memref<10000x64xf32, #tpu.memory_space<hbm>> -> memref<10000x64xf32, #tpu.memory_space<hbm>>
      tpu.wait_indirect_dma semaphore(%arg14 : memref<!tpu.dma_semaphore, #tpu.memory_space<semaphore_mem>>) src(%dma_wait3A_153 : memref<10000x64xf32, #tpu.memory_space<hbm>>) dst(%arg8 : memref<128x64xf32, #tpu.memory_space<vmem>>)
      %dma_start3A_154 = arith.constant 1 : i32
      %dma_start3A_155 = arith.constant 1 : i32
      %dma_start3A_156 = arith.constant 0 : i32
      %dma_start3A_157 = arith.constant 0 : i32
      %dma_start3A_158 = tpu.memref_slice %arg6[%dma_start3A_154, %dma_start3A_156, %dma_start3A_157] : memref<2x2x128xi32, #tpu.memory_space<vmem>> -> memref<1x2x128xi32, #tpu.memory_space<vmem>>
      %dma_start3A_159 = tpu.memref_squeeze %dma_start3A_158 : memref<1x2x128xi32, #tpu.memory_space<vmem>> -> memref<2x128xi32, #tpu.memory_space<vmem>>
      %dma_start3A_160 = arith.constant 0 : i32
      %dma_start3A_161 = tpu.memref_slice %dma_start3A_159[%dma_start3A_155, %dma_start3A_160] : memref<2x128xi32, #tpu.memory_space<vmem>> -> memref<1x128xi32, #tpu.memory_space<vmem>>
      %dma_start3A_162 = tpu.memref_squeeze %dma_start3A_161 : memref<1x128xi32, #tpu.memory_space<vmem>> -> memref<128xi32, #tpu.memory_space<vmem>>
      %dma_start3A_163 = arith.constant 0 : i32
      %dma_start3A_164 = arith.constant 0 : i32
      %dma_start3A_165 = tpu.memref_slice %arg11[%dma_start3A_163, %dma_start3A_164] : memref<10240x64xf32, #tpu.memory_space<vmem_shared>> -> memref<10240x64xf32, #tpu.memory_space<vmem_shared>>
      tpu.enqueue_indirect_dma source(%arg8 : memref<128x64xf32, #tpu.memory_space<vmem>>) target(%dma_start3A_165 : memref<10240x64xf32, #tpu.memory_space<vmem_shared>>) offsets(%dma_start3A_162 : memref<128xi32, #tpu.memory_space<vmem>>) semaphore(%arg16 : memref<!tpu.dma_semaphore, #tpu.memory_space<semaphore_mem>>) {add = true}
      %eq3A_166 = arith.constant 0 : i32
      %eq3A_167 = arith.cmpi eq, %arg0, %eq3A_166 : i32
      %convert_element_type3A_168 = arith.extui %eq3A_167 : i1 to i32
      %cond3A_169 = arith.constant 0 : i32
      %cond3A_170 = arith.cmpi ne, %convert_element_type3A_168, %cond3A_169 : i32
      scf.if %cond3A_170 {
        %dma_start3A_171 = arith.constant 1 : i32
        %dma_start3A_172 = arith.constant 1 : i32
        %dma_start3A_173 = arith.constant 0 : i32
        %dma_start3A_174 = arith.constant 0 : i32
        %dma_start3A_175 = tpu.memref_slice %arg6[%dma_start3A_171, %dma_start3A_173, %dma_start3A_174] : memref<2x2x128xi32, #tpu.memory_space<vmem>> -> memref<1x2x128xi32, #tpu.memory_space<vmem>>
        %dma_start3A_176 = tpu.memref_squeeze %dma_start3A_175 : memref<1x2x128xi32, #tpu.memory_space<vmem>> -> memref<2x128xi32, #tpu.memory_space<vmem>>
        %dma_start3A_177 = arith.constant 0 : i32
        %dma_start3A_178 = tpu.memref_slice %dma_start3A_176[%dma_start3A_172, %dma_start3A_177] : memref<2x128xi32, #tpu.memory_space<vmem>> -> memref<1x128xi32, #tpu.memory_space<vmem>>
        %dma_start3A_179 = tpu.memref_squeeze %dma_start3A_178 : memref<1x128xi32, #tpu.memory_space<vmem>> -> memref<128xi32, #tpu.memory_space<vmem>>
        %dma_start3A_180 = arith.constant 0 : i32
        %dma_start3A_181 = arith.constant 0 : i32
        %dma_start3A_182 = tpu.memref_slice %arg12[%dma_start3A_180, %dma_start3A_181] : memref<10240x16xf32, #tpu.memory_space<vmem_shared>> -> memref<10240x16xf32, #tpu.memory_space<vmem_shared>>
        tpu.enqueue_indirect_dma source(%arg9 : memref<128x16xf32, #tpu.memory_space<vmem>>) target(%dma_start3A_182 : memref<10240x16xf32, #tpu.memory_space<vmem_shared>>) offsets(%dma_start3A_179 : memref<128xi32, #tpu.memory_space<vmem>>) semaphore(%arg16 : memref<!tpu.dma_semaphore, #tpu.memory_space<semaphore_mem>>) {add = true}
      } else {
      }
    }
    %scan3A_33 = arith.constant 79 : i32
    %dma_wait3A = arith.constant 0 : i32
    %dma_wait3A_34 = arith.constant 1 : i32
    %dma_wait3A_35 = arith.constant 0 : i32
    %dma_wait3A_36 = arith.constant 0 : i32
    %dma_wait3A_37 = tpu.memref_slice %arg6[%dma_wait3A, %dma_wait3A_35, %dma_wait3A_36] : memref<2x2x128xi32, #tpu.memory_space<vmem>> -> memref<1x2x128xi32, #tpu.memory_space<vmem>>
    %dma_wait3A_38 = tpu.memref_squeeze %dma_wait3A_37 : memref<1x2x128xi32, #tpu.memory_space<vmem>> -> memref<2x128xi32, #tpu.memory_space<vmem>>
    %dma_wait3A_39 = arith.constant 0 : i32
    %dma_wait3A_40 = tpu.memref_slice %dma_wait3A_38[%dma_wait3A_34, %dma_wait3A_39] : memref<2x128xi32, #tpu.memory_space<vmem>> -> memref<1x128xi32, #tpu.memory_space<vmem>>
    %dma_wait3A_41 = tpu.memref_squeeze %dma_wait3A_40 : memref<1x128xi32, #tpu.memory_space<vmem>> -> memref<128xi32, #tpu.memory_space<vmem>>
    %dma_wait3A_42 = arith.constant 0 : i32
    %dma_wait3A_43 = arith.constant 0 : i32
    %dma_wait3A_44 = tpu.memref_slice %arg11[%dma_wait3A_42, %dma_wait3A_43] : memref<10240x64xf32, #tpu.memory_space<vmem_shared>> -> memref<10240x64xf32, #tpu.memory_space<vmem_shared>>
    tpu.wait_indirect_dma semaphore(%arg15 : memref<!tpu.dma_semaphore, #tpu.memory_space<semaphore_mem>>) src(%arg7 : memref<128x64xf32, #tpu.memory_space<vmem>>) dst(%dma_wait3A_44 : memref<10240x64xf32, #tpu.memory_space<vmem_shared>>)
    %eq3A = arith.constant 0 : i32
    %eq3A_45 = arith.cmpi eq, %arg0, %eq3A : i32
    %convert_element_type3A = arith.extui %eq3A_45 : i1 to i32
    %cond3A = arith.constant 0 : i32
    %cond3A_46 = arith.cmpi ne, %convert_element_type3A, %cond3A : i32
    scf.if %cond3A_46 {
      %dma_wait3A_70 = arith.constant 0 : i32
      %dma_wait3A_71 = arith.constant 1 : i32
      %dma_wait3A_72 = arith.constant 0 : i32
      %dma_wait3A_73 = arith.constant 0 : i32
      %dma_wait3A_74 = tpu.memref_slice %arg6[%dma_wait3A_70, %dma_wait3A_72, %dma_wait3A_73] : memref<2x2x128xi32, #tpu.memory_space<vmem>> -> memref<1x2x128xi32, #tpu.memory_space<vmem>>
      %dma_wait3A_75 = tpu.memref_squeeze %dma_wait3A_74 : memref<1x2x128xi32, #tpu.memory_space<vmem>> -> memref<2x128xi32, #tpu.memory_space<vmem>>
      %dma_wait3A_76 = arith.constant 0 : i32
      %dma_wait3A_77 = tpu.memref_slice %dma_wait3A_75[%dma_wait3A_71, %dma_wait3A_76] : memref<2x128xi32, #tpu.memory_space<vmem>> -> memref<1x128xi32, #tpu.memory_space<vmem>>
      %dma_wait3A_78 = tpu.memref_squeeze %dma_wait3A_77 : memref<1x128xi32, #tpu.memory_space<vmem>> -> memref<128xi32, #tpu.memory_space<vmem>>
      %dma_wait3A_79 = arith.constant 0 : i32
      %dma_wait3A_80 = arith.constant 0 : i32
      %dma_wait3A_81 = tpu.memref_slice %arg12[%dma_wait3A_79, %dma_wait3A_80] : memref<10240x16xf32, #tpu.memory_space<vmem_shared>> -> memref<10240x16xf32, #tpu.memory_space<vmem_shared>>
      tpu.wait_indirect_dma semaphore(%arg15 : memref<!tpu.dma_semaphore, #tpu.memory_space<semaphore_mem>>) src(%arg9 : memref<128x16xf32, #tpu.memory_space<vmem>>) dst(%dma_wait3A_81 : memref<10240x16xf32, #tpu.memory_space<vmem_shared>>)
    } else {
    }
    %dma_wait3A_47 = arith.constant 1 : i32
    %dma_wait3A_48 = arith.constant 1 : i32
    %dma_wait3A_49 = arith.constant 0 : i32
    %dma_wait3A_50 = arith.constant 0 : i32
    %dma_wait3A_51 = tpu.memref_slice %arg6[%dma_wait3A_47, %dma_wait3A_49, %dma_wait3A_50] : memref<2x2x128xi32, #tpu.memory_space<vmem>> -> memref<1x2x128xi32, #tpu.memory_space<vmem>>
    %dma_wait3A_52 = tpu.memref_squeeze %dma_wait3A_51 : memref<1x2x128xi32, #tpu.memory_space<vmem>> -> memref<2x128xi32, #tpu.memory_space<vmem>>
    %dma_wait3A_53 = arith.constant 0 : i32
    %dma_wait3A_54 = tpu.memref_slice %dma_wait3A_52[%dma_wait3A_48, %dma_wait3A_53] : memref<2x128xi32, #tpu.memory_space<vmem>> -> memref<1x128xi32, #tpu.memory_space<vmem>>
    %dma_wait3A_55 = tpu.memref_squeeze %dma_wait3A_54 : memref<1x128xi32, #tpu.memory_space<vmem>> -> memref<128xi32, #tpu.memory_space<vmem>>
    %dma_wait3A_56 = arith.constant 0 : i32
    %dma_wait3A_57 = arith.constant 0 : i32
    %dma_wait3A_58 = tpu.memref_slice %arg11[%dma_wait3A_56, %dma_wait3A_57] : memref<10240x64xf32, #tpu.memory_space<vmem_shared>> -> memref<10240x64xf32, #tpu.memory_space<vmem_shared>>
    tpu.wait_indirect_dma semaphore(%arg16 : memref<!tpu.dma_semaphore, #tpu.memory_space<semaphore_mem>>) src(%arg8 : memref<128x64xf32, #tpu.memory_space<vmem>>) dst(%dma_wait3A_58 : memref<10240x64xf32, #tpu.memory_space<vmem_shared>>)
    %eq3A_59 = arith.constant 0 : i32
    %eq3A_60 = arith.cmpi eq, %arg0, %eq3A_59 : i32
    %convert_element_type3A_61 = arith.extui %eq3A_60 : i1 to i32
    %cond3A_62 = arith.constant 0 : i32
    %cond3A_63 = arith.cmpi ne, %convert_element_type3A_61, %cond3A_62 : i32
    scf.if %cond3A_63 {
      %dma_wait3A_70 = arith.constant 1 : i32
      %dma_wait3A_71 = arith.constant 1 : i32
      %dma_wait3A_72 = arith.constant 0 : i32
      %dma_wait3A_73 = arith.constant 0 : i32
      %dma_wait3A_74 = tpu.memref_slice %arg6[%dma_wait3A_70, %dma_wait3A_72, %dma_wait3A_73] : memref<2x2x128xi32, #tpu.memory_space<vmem>> -> memref<1x2x128xi32, #tpu.memory_space<vmem>>
      %dma_wait3A_75 = tpu.memref_squeeze %dma_wait3A_74 : memref<1x2x128xi32, #tpu.memory_space<vmem>> -> memref<2x128xi32, #tpu.memory_space<vmem>>
      %dma_wait3A_76 = arith.constant 0 : i32
      %dma_wait3A_77 = tpu.memref_slice %dma_wait3A_75[%dma_wait3A_71, %dma_wait3A_76] : memref<2x128xi32, #tpu.memory_space<vmem>> -> memref<1x128xi32, #tpu.memory_space<vmem>>
      %dma_wait3A_78 = tpu.memref_squeeze %dma_wait3A_77 : memref<1x128xi32, #tpu.memory_space<vmem>> -> memref<128xi32, #tpu.memory_space<vmem>>
      %dma_wait3A_79 = arith.constant 0 : i32
      %dma_wait3A_80 = arith.constant 0 : i32
      %dma_wait3A_81 = tpu.memref_slice %arg12[%dma_wait3A_79, %dma_wait3A_80] : memref<10240x16xf32, #tpu.memory_space<vmem_shared>> -> memref<10240x16xf32, #tpu.memory_space<vmem_shared>>
      tpu.wait_indirect_dma semaphore(%arg16 : memref<!tpu.dma_semaphore, #tpu.memory_space<semaphore_mem>>) src(%arg9 : memref<128x16xf32, #tpu.memory_space<vmem>>) dst(%dma_wait3A_81 : memref<10240x16xf32, #tpu.memory_space<vmem_shared>>)
    } else {
    }
    %barrier3A_64 = arith.constant 0 : index
    tpu.barrier barrier_id(%barrier3A_64)
    %scan3A_65 = arith.constant 0 : i32
    %scan3A_66 = arith.constant 5 : i32
    %scan3A_67 = arith.addi %scan3A_65, %scan3A_66 : i32
    %scan3A_68 = arith.constant 1 : i32
    scf.for %scan3A_70 = %scan3A_65 to %scan3A_67 step %scan3A_68  : i32 {
      %mul3A_71 = arith.constant 1 : i32
      %mul3A_72 = arith.muli %scan3A_70, %mul3A_71 : i32
      %add3A_73 = arith.constant 0 : i32
      %add3A_74 = arith.addi %add3A_73, %mul3A_72 : i32
      %mul3A_75 = arith.constant 640 : i32
      %mul3A_76 = arith.muli %arg1, %mul3A_75 : i32
      %mul3A_77 = arith.constant 128 : i32
      %mul3A_78 = arith.muli %add3A_74, %mul3A_77 : i32
      %add3A_79 = arith.addi %mul3A_76, %mul3A_78 : i32
      "tpu.region"() ({
        %run_scoped3A_80 = tpu.sem_alloc : memref<!tpu.dma_semaphore, #tpu.memory_space<semaphore_mem>>
        %dma_start3A_81 = arith.constant 0 : i32
        %dma_start3A_82 = tpu.memref_slice %arg11[%add3A_79, %dma_start3A_81] : memref<10240x64xf32, #tpu.memory_space<vmem_shared>> -> memref<128x64xf32, #tpu.memory_space<vmem_shared>>
        %dma_start3A_83 = arith.constant 0 : i32
        %dma_start3A_84 = tpu.memref_slice %arg11[%add3A_79, %dma_start3A_83] : memref<10240x64xf32, #tpu.memory_space<vmem_shared>> -> memref<128x64xf32, #tpu.memory_space<vmem_shared>>
        tpu.enqueue_dma source(%dma_start3A_84 : memref<128x64xf32, #tpu.memory_space<vmem_shared>>) target(%arg7 : memref<128x64xf32, #tpu.memory_space<vmem>>) target_semaphore(%run_scoped3A_80 : memref<!tpu.dma_semaphore, #tpu.memory_space<semaphore_mem>>)
        %dma_wait3A_85 = arith.constant 0 : i32
        %dma_wait3A_86 = tpu.memref_slice %arg11[%add3A_79, %dma_wait3A_85] : memref<10240x64xf32, #tpu.memory_space<vmem_shared>> -> memref<128x64xf32, #tpu.memory_space<vmem_shared>>
        %dma_wait3A_87 = arith.constant 0 : i32
        %dma_wait3A_88 = tpu.memref_slice %arg11[%add3A_79, %dma_wait3A_87] : memref<10240x64xf32, #tpu.memory_space<vmem_shared>> -> memref<128x64xf32, #tpu.memory_space<vmem_shared>>
        tpu.wait_dma2 semaphore(%run_scoped3A_80 : memref<!tpu.dma_semaphore, #tpu.memory_space<semaphore_mem>>) src(%dma_wait3A_88 : memref<128x64xf32, #tpu.memory_space<vmem_shared>>) dst(%arg7 : memref<128x64xf32, #tpu.memory_space<vmem>>)
        tpu.yield
      }) : () -> ()
      "tpu.region"() ({
        %run_scoped3A_80 = tpu.sem_alloc : memref<!tpu.dma_semaphore, #tpu.memory_space<semaphore_mem>>
        %dma_start3A_81 = arith.constant 0 : i32
        %dma_start3A_82 = tpu.memref_slice %arg4[%arg0, %add3A_79, %dma_start3A_81] : memref<2x10240x64xf32, #tpu.memory_space<hbm>> -> memref<1x128x64xf32, #tpu.memory_space<hbm>>
        %dma_start3A_83 = tpu.memref_squeeze %dma_start3A_82 : memref<1x128x64xf32, #tpu.memory_space<hbm>> -> memref<128x64xf32, #tpu.memory_space<hbm>>
        %dma_start3A_84 = arith.constant 0 : i32
        %dma_start3A_85 = tpu.memref_slice %arg4[%arg0, %add3A_79, %dma_start3A_84] : memref<2x10240x64xf32, #tpu.memory_space<hbm>> -> memref<1x128x64xf32, #tpu.memory_space<hbm>>
        %dma_start3A_86 = tpu.memref_squeeze %dma_start3A_85 : memref<1x128x64xf32, #tpu.memory_space<hbm>> -> memref<128x64xf32, #tpu.memory_space<hbm>>
        tpu.enqueue_dma source(%arg7 : memref<128x64xf32, #tpu.memory_space<vmem>>) target(%dma_start3A_86 : memref<128x64xf32, #tpu.memory_space<hbm>>) target_semaphore(%run_scoped3A_80 : memref<!tpu.dma_semaphore, #tpu.memory_space<semaphore_mem>>)
        %dma_wait3A_87 = arith.constant 0 : i32
        %dma_wait3A_88 = tpu.memref_slice %arg4[%arg0, %add3A_79, %dma_wait3A_87] : memref<2x10240x64xf32, #tpu.memory_space<hbm>> -> memref<1x128x64xf32, #tpu.memory_space<hbm>>
        %dma_wait3A_89 = tpu.memref_squeeze %dma_wait3A_88 : memref<1x128x64xf32, #tpu.memory_space<hbm>> -> memref<128x64xf32, #tpu.memory_space<hbm>>
        %dma_wait3A_90 = arith.constant 0 : i32
        %dma_wait3A_91 = tpu.memref_slice %arg4[%arg0, %add3A_79, %dma_wait3A_90] : memref<2x10240x64xf32, #tpu.memory_space<hbm>> -> memref<1x128x64xf32, #tpu.memory_space<hbm>>
        %dma_wait3A_92 = tpu.memref_squeeze %dma_wait3A_91 : memref<1x128x64xf32, #tpu.memory_space<hbm>> -> memref<128x64xf32, #tpu.memory_space<hbm>>
        tpu.wait_dma2 semaphore(%run_scoped3A_80 : memref<!tpu.dma_semaphore, #tpu.memory_space<semaphore_mem>>) src(%arg7 : memref<128x64xf32, #tpu.memory_space<vmem>>) dst(%dma_wait3A_92 : memref<128x64xf32, #tpu.memory_space<hbm>>)
        tpu.yield
      }) : () -> ()
      "tpu.region"() ({
        %run_scoped3A_80 = tpu.sem_alloc : memref<!tpu.dma_semaphore, #tpu.memory_space<semaphore_mem>>
        %dma_start3A_81 = arith.constant 0 : i32
        %dma_start3A_82 = tpu.memref_slice %arg12[%add3A_79, %dma_start3A_81] : memref<10240x16xf32, #tpu.memory_space<vmem_shared>> -> memref<128x16xf32, #tpu.memory_space<vmem_shared>>
        %dma_start3A_83 = arith.constant 0 : i32
        %dma_start3A_84 = tpu.memref_slice %arg12[%add3A_79, %dma_start3A_83] : memref<10240x16xf32, #tpu.memory_space<vmem_shared>> -> memref<128x16xf32, #tpu.memory_space<vmem_shared>>
        tpu.enqueue_dma source(%dma_start3A_84 : memref<128x16xf32, #tpu.memory_space<vmem_shared>>) target(%arg10 : memref<128x16xf32, #tpu.memory_space<vmem>>) target_semaphore(%run_scoped3A_80 : memref<!tpu.dma_semaphore, #tpu.memory_space<semaphore_mem>>)
        %dma_wait3A_85 = arith.constant 0 : i32
        %dma_wait3A_86 = tpu.memref_slice %arg12[%add3A_79, %dma_wait3A_85] : memref<10240x16xf32, #tpu.memory_space<vmem_shared>> -> memref<128x16xf32, #tpu.memory_space<vmem_shared>>
        %dma_wait3A_87 = arith.constant 0 : i32
        %dma_wait3A_88 = tpu.memref_slice %arg12[%add3A_79, %dma_wait3A_87] : memref<10240x16xf32, #tpu.memory_space<vmem_shared>> -> memref<128x16xf32, #tpu.memory_space<vmem_shared>>
        tpu.wait_dma2 semaphore(%run_scoped3A_80 : memref<!tpu.dma_semaphore, #tpu.memory_space<semaphore_mem>>) src(%dma_wait3A_88 : memref<128x16xf32, #tpu.memory_space<vmem_shared>>) dst(%arg10 : memref<128x16xf32, #tpu.memory_space<vmem>>)
        tpu.yield
      }) : () -> ()
      "tpu.region"() ({
        %run_scoped3A_80 = tpu.sem_alloc : memref<!tpu.dma_semaphore, #tpu.memory_space<semaphore_mem>>
        %dma_start3A_81 = arith.constant 0 : i32
        %dma_start3A_82 = tpu.memref_slice %arg5[%arg0, %add3A_79, %dma_start3A_81] : memref<2x10240x16xf32, #tpu.memory_space<hbm>> -> memref<1x128x16xf32, #tpu.memory_space<hbm>>
        %dma_start3A_83 = tpu.memref_squeeze %dma_start3A_82 : memref<1x128x16xf32, #tpu.memory_space<hbm>> -> memref<128x16xf32, #tpu.memory_space<hbm>>
        %dma_start3A_84 = arith.constant 0 : i32
        %dma_start3A_85 = tpu.memref_slice %arg5[%arg0, %add3A_79, %dma_start3A_84] : memref<2x10240x16xf32, #tpu.memory_space<hbm>> -> memref<1x128x16xf32, #tpu.memory_space<hbm>>
        %dma_start3A_86 = tpu.memref_squeeze %dma_start3A_85 : memref<1x128x16xf32, #tpu.memory_space<hbm>> -> memref<128x16xf32, #tpu.memory_space<hbm>>
        tpu.enqueue_dma source(%arg10 : memref<128x16xf32, #tpu.memory_space<vmem>>) target(%dma_start3A_86 : memref<128x16xf32, #tpu.memory_space<hbm>>) target_semaphore(%run_scoped3A_80 : memref<!tpu.dma_semaphore, #tpu.memory_space<semaphore_mem>>)
        %dma_wait3A_87 = arith.constant 0 : i32
        %dma_wait3A_88 = tpu.memref_slice %arg5[%arg0, %add3A_79, %dma_wait3A_87] : memref<2x10240x16xf32, #tpu.memory_space<hbm>> -> memref<1x128x16xf32, #tpu.memory_space<hbm>>
        %dma_wait3A_89 = tpu.memref_squeeze %dma_wait3A_88 : memref<1x128x16xf32, #tpu.memory_space<hbm>> -> memref<128x16xf32, #tpu.memory_space<hbm>>
        %dma_wait3A_90 = arith.constant 0 : i32
        %dma_wait3A_91 = tpu.memref_slice %arg5[%arg0, %add3A_79, %dma_wait3A_90] : memref<2x10240x16xf32, #tpu.memory_space<hbm>> -> memref<1x128x16xf32, #tpu.memory_space<hbm>>
        %dma_wait3A_92 = tpu.memref_squeeze %dma_wait3A_91 : memref<1x128x16xf32, #tpu.memory_space<hbm>> -> memref<128x16xf32, #tpu.memory_space<hbm>>
        tpu.wait_dma2 semaphore(%run_scoped3A_80 : memref<!tpu.dma_semaphore, #tpu.memory_space<semaphore_mem>>) src(%arg10 : memref<128x16xf32, #tpu.memory_space<vmem>>) dst(%dma_wait3A_92 : memref<128x16xf32, #tpu.memory_space<hbm>>)
        tpu.yield
      }) : () -> ()
    }
    %scan3A_69 = arith.constant 5 : i32
    return
  }
}

module attributes {stable_mosaic.version = 14 : i64} {
  func.func @body(%arg0: i32, %arg1: memref<2x1000x64xf32, #tpu.memory_space<vmem>>, %arg2: memref<1x1000x16xf32, #tpu.memory_space<vmem>>, %arg3: memref<128x128xf32, #tpu.memory_space<vmem>>, %arg4: memref<1x128xf32, #tpu.memory_space<vmem>>, %arg5: memref<1000x128xf32, #tpu.memory_space<vmem>>) attributes {dimension_semantics = [#tpu.dimension_semantics<arbitrary>], iteration_bounds = array<i64: 10>, scalar_prefetch = 0 : i64, scratch_operands = 0 : i64, tpu.core_type = #tpu.core_type<tc>, window_params = [{transform_indices = @transform_0, window_bounds = array<i64: 2, 1000, 64>}, {transform_indices = @transform_1, window_bounds = array<i64: 1, 1000, 16>}, {pipeline_mode = #tpu.pipeline_mode<synchronous>, transform_indices = @transform_2, window_bounds = array<i64: 128, 128>}, {pipeline_mode = #tpu.pipeline_mode<synchronous>, transform_indices = @transform_3, window_bounds = array<i64: 1, 128>}, {transform_indices = @transform_4, window_bounds = array<i64: 1000, 128>}]} {
    %get3A = arith.constant 0 : index
    %get3A_0 = arith.constant 0 : index
    %get3A_1 = arith.constant 0 : index
    %get3A_2 = vector.load %arg1[%get3A, %get3A_0, %get3A_1] : memref<2x1000x64xf32, #tpu.memory_space<vmem>>, vector<1x1000x64xf32>
    %get3A_3 = vector.shape_cast %get3A_2 : vector<1x1000x64xf32> to vector<1000x64xf32>
    %get3A_4 = arith.constant 1 : index
    %get3A_5 = arith.constant 0 : index
    %get3A_6 = arith.constant 0 : index
    %get3A_7 = vector.load %arg1[%get3A_4, %get3A_5, %get3A_6] : memref<2x1000x64xf32, #tpu.memory_space<vmem>>, vector<1x1000x64xf32>
    %get3A_8 = vector.shape_cast %get3A_7 : vector<1x1000x64xf32> to vector<1000x64xf32>
    %concatenate3A = tpu.concatenate %get3A_3, %get3A_8 in 1 : vector<1000x64xf32>, vector<1000x64xf32> -> vector<1000x128xf32>
    %get3A_9 = arith.constant 0 : index
    %get3A_10 = arith.constant 0 : index
    %get3A_11 = arith.constant 0 : index
    %get3A_12 = vector.load %arg2[%get3A_9, %get3A_10, %get3A_11] : memref<1x1000x16xf32, #tpu.memory_space<vmem>>, vector<1x1000x16xf32>
    %get3A_13 = vector.shape_cast %get3A_12 : vector<1x1000x16xf32> to vector<1000x16xf32>
    %slice3A = vector.extract_strided_slice %get3A_13 {offsets = [0, 0], sizes = [1000, 1], strides = [1, 1]} : vector<1000x16xf32> to vector<1000x1xf32>
    %max3A = arith.constant 1.000000e+00 : f32
    %max3A_14 = vector.broadcast %max3A : f32 to vector<1000x1xf32>
    %max3A_15 = arith.maximumf %slice3A, %max3A_14 : vector<1000x1xf32>
    %div3A = vector.broadcast %max3A_15 : vector<1000x1xf32> to vector<1000x128xf32>
    %div3A_16 = arith.divf %concatenate3A, %div3A : vector<1000x128xf32>
    %get3A_17 = arith.constant 0 : index
    %get3A_18 = arith.constant 0 : index
    %get3A_19 = vector.load %arg3[%get3A_17, %get3A_18] : memref<128x128xf32, #tpu.memory_space<vmem>>, vector<128x128xf32>
    %dot_general3A = arith.constant dense<0.000000e+00> : vector<1000x128xf32>
    %dot_general3A_20 = tpu.matmul %div3A_16, %get3A_19, %dot_general3A {dimension_numbers = #tpu.dot_dimension_numbers<[1], [0], [0], [1], [0, 0, 1, 1], [], []>, transpose_lhs_hint = false} : vector<1000x128xf32>, vector<128x128xf32>, vector<1000x128xf32> -> vector<1000x128xf32>
    %get3A_21 = arith.constant 0 : index
    %get3A_22 = arith.constant 0 : index
    %get3A_23 = vector.load %arg4[%get3A_21, %get3A_22] : memref<1x128xf32, #tpu.memory_space<vmem>>, vector<1x128xf32>
    %add3A = vector.broadcast %get3A_23 : vector<1x128xf32> to vector<1000x128xf32>
    %add3A_24 = arith.addf %dot_general3A_20, %add3A : vector<1000x128xf32>
    %swap3A = arith.constant 0 : index
    %swap3A_25 = arith.constant 0 : index
    %swap3A_26 = vector.load %arg5[%swap3A, %swap3A_25] : memref<1000x128xf32, #tpu.memory_space<vmem>>, vector<1000x128xf32>
    tpu.vector_store %arg5[%swap3A, %swap3A_25], %add3A_24 {strides = array<i32>} : memref<1000x128xf32, #tpu.memory_space<vmem>>, vector<1000x128xf32>,
    return
  }
  func.func @transform_0(%arg0: i32) -> (i32, i32, i32) {
    %c0_i32 = arith.constant 0 : i32
    %c0_i32_0 = arith.constant 0 : i32
    %c0_i32_1 = arith.constant 0 : i32
    return %c0_i32, %arg0, %c0_i32_0 : i32, i32, i32
  }
  func.func @transform_1(%arg0: i32) -> (i32, i32, i32) {
    %c0_i32 = arith.constant 0 : i32
    %c0_i32_0 = arith.constant 0 : i32
    %c0_i32_1 = arith.constant 0 : i32
    return %c0_i32, %arg0, %c0_i32_0 : i32, i32, i32
  }
  func.func @transform_2(%arg0: i32) -> (i32, i32) {
    %c0_i32 = arith.constant 0 : i32
    %c0_i32_0 = arith.constant 0 : i32
    %c0_i32_1 = arith.constant 0 : i32
    return %c0_i32, %c0_i32_0 : i32, i32
  }
  func.func @transform_3(%arg0: i32) -> (i32, i32) {
    %c0_i32 = arith.constant 0 : i32
    %c0_i32_0 = arith.constant 0 : i32
    %c0_i32_1 = arith.constant 0 : i32
    return %c0_i32, %c0_i32_0 : i32, i32
  }
  func.func @transform_4(%arg0: i32) -> (i32, i32) {
    %c0_i32 = arith.constant 0 : i32
    %c0_i32_0 = arith.constant 0 : i32
    return %arg0, %c0_i32 : i32, i32
  }
}

</mosaic_0001>

<sc_bundles>
// kernel: kernel.4.cloned.1.call-start
scs
__scs_entry_jumppad:
0x0: {  	(pc) =	sbr.rel $0x88, $3  }
0x1: {  	(tag) =	ssettag $0x0;
	lr =	simm.s32 $0x1  }
0x2: {  	[smem:$0x3F9D] =	sst lr;
	_ =	strace $0xD0000000  }
0x3: {  	_ = 	snop  }
0x4: {  	_ = 	snop  }
0x5: {  	_ = 	snop  }
0x6: {  	_ = 	snop  }
0x7: {  	_ = 	snop  }
__scs_overlays_trampoline_lowered:
0x8: {  	[smem:$0x3FAC] =	sst s0  }
0x9: {  	[smem:$0x3FAD] =	sst s1  }
0xa: {  	[smem:$0x3FAE] =	sst s2  }
0xb: {  	[smem:$0x3FAF] =	sst s3  }
0xc: {  	[smem:$0x3FB0] =	sst s4  }
0xd: {  	[smem:$0x3FB1] =	sst s5  }
0xe: {  	[smem:$0x3FB2] =	sst s6  }
0xf: {  	[smem:$0x3FB3] =	sst s7  }
0x10: {  	[smem:$0x3FB4] =	sst s8  }
0x11: {  	[smem:$0x3FB5] =	sst s9;
	s0 =	simm.s32 @!p0 $0x0  }
0x12: {  	s1 =	sld [smem:$0x3F9B];
	s0 =	simm.s32 @p0 $0x1  }
0x13: {  	[smem:$0x3FB6] =	sst s0;
	s0 =	simm.s32 @!p1 $0x0  }
0x14: {  	s2 =	sld [smem:$0x3F9A];
	s0 =	simm.s32 @p1 $0x1  }
0x15: {  	[smem:$0x3FB7] =	sst s0;
	s0 =	simm.s32 @!p2 $0x0  }
0x16: {  	s3 =	sld [smem:$0x3FDB];
	s0 =	simm.s32 @p2 $0x1  }
0x17: {  	s4 =	simm.s32 $0x1BF5;
	[smem:$0x3FB9] =	sst s0  }
0x18: {  	s0 =	sld [smem:$0x3F9C];
	_ =	swait.ge [sflag:s4], $0x0  }
0x19: {  	s7 =	sld [smem:$0x3F9D]  }
0x1a: {  	s8 =	sadd.s32 $0xFFFFE003, lr  }
0x1b: {  	s9 =	sadd.s32 $0xFFFFFEF7, lr;
	s5 =	simm.s32 $0xFFFFFFFF;
	p2 =	slt.u32 s8, $0xFFFFF086  }
0x1c: {  	p1 =	slt.u32 s9, $0xF7A;
	s5 =	simm.s32 @!p2 $0x0  }
0x1d: {  	s5 =	simm.s32 @p1 $0x1;
	p0 =	seq.s32 s7, s2  }
0x1e: {  	s7 =	smul.u32 @!p0 $0xF7A, s2;
	p2 =	seq.s32 @!p0 s5, $0x0  }
0x1f: {  	s9 =	smul.u32 $0xF7A, s1;
	s8 =	simm.s32 @!p0 $0x1BF5;
	p2 =	por !p2, p0  }
0x20: {  	[sflag:s8] =	ssyncset.s32 @!p0 $0xFFFFF086;
	s6 =	sadd.s32 @!p0 s3, s7;
	s7 =	simm.s32 @!p0 $0x108  }
0x21: {  	s3 =	sadd.s32 s3, s9;
	s6 =	sadd.s32 @!p0 $0x88, s6;
	s7 =	simm.s32 @p2 $0x1082  }
0x22: {  	[simem:s7], [sflag:s8] =	dma.local @!p0 [hbm:s6], $0xF7A  }
0x23: {  	s9 =	sor.u32 $0xD0000000, s2;
	s6 =	simm.s32 $0x108;
	_ =	swait.ge @!p0 [sflag:s8], $0x0  }
0x24: {  	s3 =	sadd.s32 $0x88, s3;
	s6 =	simm.s32 @!p1 $0x1082;
	[sflag:s4] =	ssyncset.s32 $0xFFFFF086  }
0x25: {  	[simem:s6], [sflag:s4] =	dma.local [hbm:s3], $0xF7A  }
0x26: {  	[smem:$0x3F9D] =	sst s1;
	(tag) =	ssettag s2;
	_ =	strace s9  }
0x27: {  	s1 =	sld [smem:$0x3FAD]  }
0x28: {  	s2 =	sld [smem:$0x3FAE]  }
0x29: {  	s4 =	sld [smem:$0x3FB0]  }
0x2a: {  	p0 =	seq.s32 s5, $0x0;
	s5 =	sld [smem:$0x3FB1]  }
0x2b: {  	s6 =	sld [smem:$0x3FB2]  }
0x2c: {  	s7 =	sld [smem:$0x3FB3]  }
0x2d: {  	s3 =	simm.s32 $0x108;
	s8 =	sld [smem:$0x3FB4]  }
0x2e: {  	s3 =	simm.s32 @!p0 $0x1082;
	s9 =	sld [smem:$0x3FB5]  }
0x2f: {  	lr =	sadd.s32 s0, s3;
	s0 =	sld [smem:$0x3FAC]  }
0x30: {  	s3 =	sld [smem:$0x3FAF]  }
0x31: {  	[smem:$0x3FB8] =	sst s10  }
0x32: {  	s10 =	sld [smem:$0x3FB6];
	_ =	sdelay $0x3  }
0x33: {  	p0 =	seq.s32 s10, $0x1;
	s10 =	sld [smem:$0x3FB8];
	_ =	sdelay $0x3  }
0x34: {  	[smem:$0x3FB8] =	sst s10  }
0x35: {  	s10 =	sld [smem:$0x3FB7];
	_ =	sdelay $0x3  }
0x36: {  	p1 =	seq.s32 s10, $0x1;
	s10 =	sld [smem:$0x3FB8];
	_ =	sdelay $0x3  }
0x37: {  	[smem:$0x3FB8] =	sst s10  }
0x38: {  	s10 =	sld [smem:$0x3FB9]  }
0x39: {  	_ = 	snop;
	(pc) =	sbr.ind lr, $3  }
0x3a: {  	_ = 	snop  }
0x3b: {  	_ = 	snop  }
0x3c: {  	p2 =	seq.s32 s10, $0x1;
	s10 =	sld [smem:$0x3FB8]  }
0x3d: {  	_ =	shalt  }
0x3e: {  	_ =	shalt  }
0x3f: {  	_ =	shalt  }
0x40: {  	_ =	shalt  }
0x41: {  	_ =	shalt  }
0x42: {  	_ =	shalt  }
0x43: {  	_ =	shalt  }
0x44: {  	_ =	shalt  }
0x45: {  	_ =	shalt  }
0x46: {  	_ =	shalt  }
0x47: {  	_ =	shalt  }
0x48: {  	_ =	shalt  }
0x49: {  	_ =	shalt  }
0x4a: {  	_ =	shalt  }
0x4b: {  	_ =	shalt  }
0x4c: {  	_ =	shalt  }
0x4d: {  	_ =	shalt  }
0x4e: {  	_ =	shalt  }
0x4f: {  	_ =	shalt  }
0x50: {  	_ =	shalt  }
0x51: {  	_ =	shalt  }
0x52: {  	_ =	shalt  }
0x53: {  	_ =	shalt  }
0x54: {  	_ =	shalt  }
0x55: {  	_ =	shalt  }
0x56: {  	_ =	shalt  }
0x57: {  	_ =	shalt  }
0x58: {  	_ =	shalt  }
0x59: {  	_ =	shalt  }
0x5a: {  	_ =	shalt  }
0x5b: {  	_ =	shalt  }
0x5c: {  	_ =	shalt  }
0x5d: {  	_ =	shalt  }
0x5e: {  	_ =	shalt  }
0x5f: {  	_ =	shalt  }
0x60: {  	_ =	shalt  }
0x61: {  	_ =	shalt  }
0x62: {  	_ =	shalt  }
0x63: {  	_ =	shalt  }
0x64: {  	_ =	shalt  }
0x65: {  	_ =	shalt  }
0x66: {  	_ =	shalt  }
0x67: {  	_ =	shalt  }
0x68: {  	_ =	shalt  }
0x69: {  	_ =	shalt  }
0x6a: {  	_ =	shalt  }
0x6b: {  	_ =	shalt  }
0x6c: {  	_ =	shalt  }
0x6d: {  	_ =	shalt  }
0x6e: {  	_ =	shalt  }
0x6f: {  	_ =	shalt  }
0x70: {  	_ =	shalt  }
0x71: {  	_ =	shalt  }
0x72: {  	_ =	shalt  }
0x73: {  	_ =	shalt  }
0x74: {  	_ =	shalt  }
0x75: {  	_ =	shalt  }
0x76: {  	_ =	shalt  }
0x77: {  	_ =	shalt  }
0x78: {  	_ =	shalt  }
0x79: {  	_ =	shalt  }
0x7a: {  	_ =	shalt  }
0x7b: {  	_ =	shalt  }
0x7c: {  	_ =	shalt  }
0x7d: {  	_ =	shalt  }
0x7e: {  	_ =	shalt  }
0x7f: {  	_ =	shalt  }
0x80: {  	_ =	shalt  }
0x81: {  	_ =	shalt  }
0x82: {  	_ =	shalt  }
0x83: {  	_ =	shalt  }
0x84: {  	_ =	shalt  }
0x85: {  	_ =	shalt  }
0x86: {  	_ =	shalt  }
0x87: {  	_ =	shalt  }
.Lfunc_end0:
.L_simem_size_0:
called_computation_lowered:
.L_overlay_start_0:
0x88: {  	s2 =	sld [smem:$0x3FD9]  }
0x89: {  	s3 =	sld [smem:$0x3FFE];
	_ =	sdelay $0x1  }
0x8a: {  	s1 =	srdreg.scid  }
0x8b: {  	s0 =	sand.u32 $0x1, s1  }
0x8c: {  	s17 =	sshll.u32 s0, $0xA;
	s2 =	sadd.s32 s3, s2  }
0x8d: {  	s2 =	sadd.s32 s2, s17  }
0x8e: {  	[smem:$0x3FC4] =	sst s2  }
0x8f: {  	_ = 	snop  }
0x90: {  	s2 =	sld [smem:$0x3FD0];
	(tm) =	ssettm $0x1  }
0x91: {  	s18 =	sld [smem:$0x3FFB];
	_ =	sdelay $0x3  }
0x92: {  	_ =	strace s18  }
0x93: {  	s3 =	sld [smem:$0x3FFC];
	_ =	sdelay $0x3  }
0x94: {  	_ =	strace s3  }
0x95: {  	s3 =	sld [smem:$0x3FFD];
	_ =	sdelay $0x3  }
0x96: {  	_ =	strace s3  }
0x97: {  	_ =	strace $0x8FFFFFFF  }
0x98: {  	s19 =	sld [smem:$0x3FDB];
	_ =	sdelay $0x1  }
0x99: {  	s4 =	simm.s32 $_scs_section_size  }
0x9a: {  	s5 =	simm.s32 $_size__tile_overlayer_lowered;
	s6 =	simm.s32 $_tile_overlayer_lowered  }
0x9b: {  	s22 =	simm.s32 $0x1BFF;
	s21 =	sshll.u32 s6, $0x1;
	s3 =	sadd.s32 s4, s19  }
0x9c: {  	s7 =	simm.s32 $0x0;
	s20 =	sshll.u32 s5, $0x1;
	s5 =	sadd.s32 s21, s3  }
0x9d: {  	[timem:s7], [sflag:s22] =	dma.local [hbm:s5], s20  }
0x9e: {  	_ =	swait.ge [sflag:s22], s20  }
0x9f: {  	s4 =	ssub.s32 $0x0, s20;
	[sflag:s22] =	ssyncset.done $0x0  }
0xa0: {  	[sflag:s22] =	ssyncadd.s32 s4;
	_ =	sdelay $0x1  }
0xa1: {  	s23 =	simm.s32 $0x1B8B  }
0xa2: {  	_ =	swait.ge [sflag:s23], $0x1  }
0xa3: {  	[sflag:s23] =	ssyncset.done $0x0  }
0xa4: {  	s25 =	simm.s32 $0x1B8E;
	s24 =	sld [smem:$0x3FFE];
	[sflag:s23] =	ssyncadd.s32 $0xFFFFFFFF  }
0xa5: {  	s26 =	simm.s32 $execute0_lowered;
	[smem:$0x3FD2] =	sst s25  }
0xa6: {  	s5 =	sshll.u32 s26, $0x1;
	_ =	strace $0x80000046;
	[dreg:$0x1] =	wrdreg $0xFFFFFFFF  }
0xa7: {  	s28 =	simm.s32 $_size_execute0_lowered;
	s3 =	sadd.s32 s3, s5;
	[dreg:$0x0] =	wrdreg $0x0  }
0xa8: {  	s5 =	sshll.u32 s28, $0x1;
	[dreg:$0x2] =	wrdreg s3  }
0xa9: {  	[dreg:$0x3] =	wrdreg s5  }
0xaa: {  	[dreg:$0x4] =	wrdreg $0xC0  }
0xab: {  	_ =	task [dreg:s7], $0x5FFFF  }
0xac: {  	[dreg:$0x1] =	wrdreg $0xFFFFFFFF  }
0xad: {  	[dreg:$0x0] =	wrdreg $0x60  }
0xae: {  	[dreg:$0x2] =	wrdreg s24  }
0xaf: {  	[dreg:$0x3] =	wrdreg s2  }
0xb0: {  	[dreg:$0x4] =	wrdreg $0x52000  }
0xb1: {  	[dreg:$0x5] =	wrdreg $0xF2000  }
0xb2: {  	[dreg:$0x6] =	wrdreg $0x9  }
0xb3: {  	_ =	task.clear_ibuf [dreg:s7], $0x7FFFF;
	_ =	strace $0x90000046  }
0xb4: {  	s29 =	simm.s32 $0x9;
	_ =	strace $0x80000048  }
0xb5: {  	_ =	swait.ge [sflag:s29], $0x1  }
0xb6: {  	[sflag:s29] =	ssyncadd.s32 $0xFFFFFFFF  }
0xb7: {  	_ =	strace $0x90000048  }
0xb8: {  	_ =	sfence  }
0xb9: {  	s30 =	sld [smem:$0x0];
	_ =	sdelay $0x2  }
0xba: {  	s31 =	sshll.u32 s1, $0xD;
	s1 =	sshrl.u32 s1, $0x2  }
0xbb: {  	s3 =	sand.u32 $0x4000, s31;
	s1 =	sadd.s32 s1, s30  }
0xbc: {  	s0 =	sor.u32 s3, s0;
	s1 =	sshll.u32 s1, $0x11  }
0xbd: {  	s0 =	sor.u32 s1, s0  }
0xbe: {  	s0 =	sadd.s32 $0x8F2B, s0  }
0xbf: {  	[sflag:s0] =	ssyncadd.remote.s32 $0x1  }
0xc0: {  	_ =	sfence.sel $0xFFFF  }
0xc1: {  	[dreg:$0x0] =	wrdreg $0xFFFFFFFF;
	(pc) =	sbr.abs _section_cstart, $3  }
0xc2: {  	[dreg:$0x1] =	wrdreg $0xFFFFFFFF  }
0xc3: {  	_ =	task.clear_ibuf [dreg:s7], $0x2FFFF;
	_ =	strace $0x9FFFFFFF  }
0xc4: {  	(tm) =	ssettm $0x7FFFFFFF  }
0xc5: {  	_ =	shalt  }
tec
execute0_lowered:
.L_overlay_start_1:
0x0: {  	(tag) =	ssettag $0x1  }
0x1: {  	s0 =	rddreg [dreg:$0x0];
	s22 =	stileid.u32  }
0x2: {  	s2 =	rddreg [dreg:$0x1];
	s1 =	simm.s32 $0x0;
	s4 =	srdreg.scid  }
0x3: {  	s3 =	smul.u32 $0x13C0, s22;
	[smem:$0x7FF] =	sst s1  }
0x4: {  	s21 =	smul.u32 $0x280, s22;
	s5 =	sadd.s32 $0x14600, s0;
	s9 =	sadd.s32 $0x3C600, s0  }
0x5: {  	s6 =	sadd.s32 s3, s0;
	s3 =	sand.u32 $0x1, s4;
	s0 =	smul.u32 $0x2800, s22  }
0x6: {  	s12 =	sadd.s32 $0x80, s21;
	s14 =	sadd.s32 $0x100, s21;
	s8 =	smul.u32 $0x13880, s3  }
0x7: {  	s15 =	sadd.s32 $0x180, s21;
	s4 =	sadd.s32 $0x200, s21;
	s10 =	smul.u32 $0xA0000, s3  }
0x8: {  	s7 =	ssub.s32 $0x2, s3;
	s11 =	smul.u32 $0x28000, s3;
	s13 =	sshll.u32 s12, $0x6  }
0x9: {  	s16 =	sshll.u32 s14, $0x6;
	s17 =	sshll.u32 s15, $0x6;
	s21 =	sshll.u32 s4, $0x6  }
0xa: {  	s4 =	sshll.u32 s4, $0x4;
	p0 =	seq.s32 s3, $0x0;
	s23 =	sshrl.u32 s7, $0x1  }
0xb: {  	p1 =	sne.s32 s3, $0x0;
	s7 =	ssub.s32 s7, s23;
	s2 =	sadd.s32 s2, s8  }
0xc: {  	s8 =	smul.u32 $0xA000, s22;
	s19 =	sadd.s32 s11, s0;
	s25 =	sadd.s32 s10, s13  }
0xd: {  	s20 =	sadd.s32 s10, s16;
	s31 =	sadd.s32 s10, s17;
	s23 =	sshll.u32 s14, $0x4  }
0xe: {  	s24 =	sshrl.u32 s19, $0x3;
	s19 =	sshll.u32 s12, $0x4;
	s26 =	sshrl.u32 s25, $0x3  }
0xf: {  	s30 =	sshrl.u32 s20, $0x3;
	s20 =	sshrl.u32 s31, $0x3;
	s12 =	sadd.s32 s5, s26  }
0x10: {  	s7 =	smax.u32 s7, $0x1;
	s14 =	sadd.s32 s5, s20;
	[dreg:$0x7] =	wrdreg s12  }
0x11: {  	s18 =	sadd.s32 s10, s8;
	s28 =	sadd.s32 s11, s19;
	[dreg:$0x9] =	wrdreg s14  }
0x12: {  	s10 =	sadd.s32 s10, s21;
	s18 =	sshrl.u32 s18, $0x3;
	s12 =	rddreg [dreg:$0x2]  }
0x13: {  	s29 =	sshrl.u32 s28, $0x3;
	s10 =	sshrl.u32 s10, $0x3;
	s14 =	rddreg [dreg:$0x3]  }
0x14: {  	s18 =	sadd.s32 s5, s18;
	s25 =	sadd.s32 s9, s29;
	s29 =	smul.u32 $0x28000, s22  }
0x15: {  	s31 =	sadd.s32 s8, s12;
	s8 =	sshrl.u32 s8, $0x2;
	s20 =	sadd.s32 s13, s12  }
0x16: {  	[dreg:$0x5] =	wrdreg s18;
	s18 =	sadd.s32 s9, s24;
	s24 =	sadd.s32 s11, s23  }
0x17: {  	[dreg:$0x6] =	wrdreg s18;
	s18 =	sadd.s32 s5, s30;
	s5 =	sadd.s32 s5, s10  }
0x18: {  	s10 =	sshll.u32 s15, $0x4;
	[dreg:$0xa] =	wrdreg s5;
	s5 =	sshrl.u32 s24, $0x3  }
0x19: {  	[dreg:$0xb] =	wrdreg s25;
	s26 =	sadd.s32 s11, s10;
	s5 =	sadd.s32 s9, s5  }
0x1a: {  	s11 =	sadd.s32 s11, s4;
	[dreg:$0xc] =	wrdreg s5;
	s5 =	sshrl.u32 s26, $0x3  }
0x1b: {  	[dreg:$0x8] =	wrdreg s18;
	s28 =	sshrl.u32 s11, $0x3;
	s5 =	sadd.s32 s9, s5  }
0x1c: {  	s30 =	sshrl.u32 s29, $0x2;
	[dreg:$0xd] =	wrdreg s5;
	s5 =	sadd.s32 s9, s28  }
0x1d: {  	s22 =	sadd.s32 s16, s12;
	s3 =	sadd.s32 s30, s12;
	[dreg:$0xe] =	wrdreg s5  }
0x1e: {  	s24 =	sadd.s32 s17, s12;
	_ =	strace $0x80000047;
	[dreg:$0xf] =	wrdreg s31  }
0x1f: {  	s11 =	sshrl.u32 s13, $0x2;
	s13 =	sshrl.u32 s16, $0x2;
	[dreg:$0x10] =	wrdreg s7  }
0x20: {  	s16 =	sshrl.u32 s17, $0x2;
	s9 =	sadd.s32 s8, s14;
	[dreg:$0x11] =	wrdreg s3  }
0x21: {  	s17 =	sshrl.u32 s21, $0x2;
	s15 =	sadd.s32 s13, s14;
	[dreg:$0x12] =	wrdreg s9  }
0x22: {  	s0 =	sadd.s32 s0, s14;
	s18 =	sadd.s32 s17, s14;
	[dreg:$0x14] =	wrdreg s15  }
0x23: {  	s25 =	sadd.s32 s23, s14;
	s23 =	simm.s32 $0x0;
	[dreg:$0x16] =	wrdreg s18  }
0x24: {  	s26 =	sadd.s32 s21, s12;
	s21 =	sadd.s32 s19, s14;
	[dreg:$0x17] =	wrdreg s0  }
0x25: {  	s29 =	sadd.s32 s4, s14;
	s30 =	sadd.s32 $0xA20, s6;
	[dreg:$0x18] =	wrdreg s21  }
0x26: {  	s13 =	simm.s32 $0x100;
	s28 =	sadd.s32 s10, s14;
	[dreg:$0x19] =	wrdreg s25  }
0x27: {  	s17 =	simm.s32 $0x2;
	s19 =	simm.s32 $0x4;
	[dreg:$0x1a] =	wrdreg s28  }
0x28: {  	s8 =	simm.s32 $0x5;
	s10 =	simm.s32 $0x80;
	[dreg:$0x1b] =	wrdreg s29  }
0x29: {  	s3 =	sadd.s32 s11, s14;
	[dreg:$0x1c] =	wrdreg s30;
	s31 =	sadd.s32 $0xA40, s6  }
0x2a: {  	s7 =	simm.s32 $0x200;
	s9 =	simm.s32 $0x4A00;
	s15 =	simm.s32 $0x2200  }
0x2b: {  	s18 =	simm.s32 $0x180;
	s21 =	simm.s32 $0x3;
	[dreg:$0x13] =	wrdreg s3  }
0x2c: {  	s3 =	sadd.s32 s16, s14;
	[dreg:$0x1d] =	wrdreg s31;
	s16 =	simm.s32 $0x1  }
0x2d: {  	v0 =	vimm.f32 $0.0e+00;
	v1 =	vimm.f32 $1.000000000e+00;
	[dreg:$0x15] =	wrdreg s3;
	s3 =	sadd.s32 $0xA00, s6;
	s6 =	sadd.s32 $0x1DA0, s6  }
.LBB2_1:
0x2e: {  	s0 =	simm.s32 $0x220  }
0x2f: {  	[tilespmem:s0+$0xFFFFFFE0] =	vst v0  }
0x30: {  	[tilespmem:s0+$0x10] =	vst v0  }
0x31: {  	[tilespmem:s0+$0x0] =	vst v0  }
0x32: {  	s11 =	simm.s32 $0x40;
	s25 =	simm.s32 $0x0;
	[tilespmem:s0+$0xFFFFFFF0] =	vst v0  }
.LBB2_2:
0x33: {  	p2 =	sne.s32 s11, $0x1FC0  }
0x34: {  	[tilespmem:s25+$0x4A00] =	vst v0;
	s0 =	sadd.s32 $0x40, s0;
	s28 =	smov.u32 s11;
	s11 =	sadd.s32 $0x40, s11  }
.Ltmp0:
0x35: {  	[tilespmem:s25+$0x4200] =	vst v1;
	(pc) =	sbr.rel @p2 .LBB2_2-.Ltmp0, $4  }
0x36: {  	[tilespmem:s0+$0xFFFFFFE0] =	vst v0  }
0x37: {  	[tilespmem:s0+$0x10] =	vst v0  }
0x38: {  	[tilespmem:s0+$0x0] =	vst v0  }
0x39: {  	s25 =	sshra.s32 s28, $0x2;
	[tilespmem:s0+$0xFFFFFFF0] =	vst v0  }
0x3a: {  	[tilespmem:s25+$0x4A00] =	vst v0  }
0x3b: {  	[tilespmem:s25+$0x4200] =	vst v1;
	s0 =	rddreg [dreg:$0x11]  }
0x3c: {  	[spmem:s0] =	stream.linear.scatter [tilespmem:s7], [sflag:$0x5], $0x2000, $0x38;
	[tilespmem:$0x11A00] =	vst v63  }
0x3d: {  	_ =	swait.ge [sflag:s8], $0x2000  }
0x3e: {  	[sflag:s8] =	ssyncset.done $0x0  }
0x3f: {  	s5 =	rddreg [dreg:$0x12];
	[sflag:s8] =	ssyncadd.s32 $0xFFFFE000  }
0x40: {  	[spmem:s5] =	stream.linear.scatter [tilespmem:s9], [sflag:$0x5], $0x800, $0x38;
	[tilespmem:$0x11A00] =	vst v63  }
0x41: {  	_ =	swait.ge [sflag:s8], $0x800  }
0x42: {  	[sflag:s8] =	ssyncset.done $0x0  }
0x43: {  	[sflag:s8] =	ssyncadd.s32 $0xFFFFF800  }
0x44: {  	[spmem:s20] =	stream.linear.scatter [tilespmem:s7], [sflag:$0x5], $0x2000, $0x38;
	[tilespmem:$0x11A00] =	vst v63  }
0x45: {  	_ =	swait.ge [sflag:s8], $0x2000  }
0x46: {  	[sflag:s8] =	ssyncset.done $0x0  }
0x47: {  	s11 =	rddreg [dreg:$0x13];
	[sflag:s8] =	ssyncadd.s32 $0xFFFFE000  }
0x48: {  	[spmem:s11] =	stream.linear.scatter [tilespmem:s9], [sflag:$0x5], $0x800, $0x38;
	[tilespmem:$0x11A00] =	vst v63  }
0x49: {  	_ =	swait.ge [sflag:s8], $0x800  }
0x4a: {  	[sflag:s8] =	ssyncset.done $0x0  }
0x4b: {  	[sflag:s8] =	ssyncadd.s32 $0xFFFFF800  }
0x4c: {  	[spmem:s22] =	stream.linear.scatter [tilespmem:s7], [sflag:$0x5], $0x2000, $0x38;
	[tilespmem:$0x11A00] =	vst v63  }
0x4d: {  	_ =	swait.ge [sflag:s8], $0x2000  }
0x4e: {  	[sflag:s8] =	ssyncset.done $0x0  }
0x4f: {  	s25 =	rddreg [dreg:$0x14];
	[sflag:s8] =	ssyncadd.s32 $0xFFFFE000  }
0x50: {  	[spmem:s25] =	stream.linear.scatter [tilespmem:s9], [sflag:$0x5], $0x800, $0x38;
	[tilespmem:$0x11A00] =	vst v63  }
0x51: {  	_ =	swait.ge [sflag:s8], $0x800  }
0x52: {  	[sflag:s8] =	ssyncset.done $0x0  }
0x53: {  	[sflag:s8] =	ssyncadd.s32 $0xFFFFF800  }
0x54: {  	[spmem:s24] =	stream.linear.scatter [tilespmem:s7], [sflag:$0x5], $0x2000, $0x38;
	[tilespmem:$0x11A00] =	vst v63  }
0x55: {  	_ =	swait.ge [sflag:s8], $0x2000  }
0x56: {  	[sflag:s8] =	ssyncset.done $0x0  }
0x57: {  	s4 =	rddreg [dreg:$0x15];
	[sflag:s8] =	ssyncadd.s32 $0xFFFFE000  }
0x58: {  	[spmem:s4] =	stream.linear.scatter [tilespmem:s9], [sflag:$0x5], $0x800, $0x38;
	[tilespmem:$0x11A00] =	vst v63  }
0x59: {  	_ =	swait.ge [sflag:s8], $0x800  }
0x5a: {  	[sflag:s8] =	ssyncset.done $0x0  }
0x5b: {  	[sflag:s8] =	ssyncadd.s32 $0xFFFFF800  }
0x5c: {  	[spmem:s26] =	stream.linear.scatter [tilespmem:s7], [sflag:$0x5], $0x2000, $0x38;
	[tilespmem:$0x11A00] =	vst v63  }
0x5d: {  	_ =	swait.ge [sflag:s8], $0x2000  }
0x5e: {  	[sflag:s8] =	ssyncset.done $0x0  }
0x5f: {  	s5 =	rddreg [dreg:$0x16];
	[sflag:s8] =	ssyncadd.s32 $0xFFFFE000  }
0x60: {  	[spmem:s5] =	stream.linear.scatter [tilespmem:s9], [sflag:$0x5], $0x800, $0x38;
	[tilespmem:$0x11A00] =	vst v63  }
0x61: {  	_ =	swait.ge [sflag:s8], $0x800  }
0x62: {  	[sflag:s8] =	ssyncset.done $0x0  }
0x63: {  	[sflag:s8] =	ssyncadd.s32 $0xFFFFF800  }
0x64: {  	[bflag:$0x0] =	sbarrier.arrive $0xFFFF  }
0x65: {  	[tilespmem:s1], [sflag:$0x5] =	stream.linear.gather [hbm4b:s3+s1], $0x100, $0x38;
	[tilespmem:$0x11A00] =	vst v63  }
0x66: {  	_ =	swait.ge [sflag:s8], $0x100  }
0x67: {  	[sflag:s8] =	ssyncset.done $0x0  }
0x68: {  	[sflag:s8] =	ssyncadd.s32 $0xFFFFFF00  }
0x69: {  	[tilespmem:s7], [sflag:$0x1] =	stream.indirect.gather [hbm4b:s2+s10], $0x40, s1, s10, $0xb8;
	[tilespmem:$0x11A00] =	vst v63  }
0x6a: {  	s11 =	rddreg [dreg:$0x1c]  }
0x6b: {  	[tilespmem:s13], [sflag:$0x5] =	stream.linear.gather [hbm4b:s11+s1], $0x100, $0x38;
	[tilespmem:$0x11A00] =	vst v63  }
0x6c: {  	_ =	swait.ge [sflag:s8], $0x100  }
0x6d: {  	[sflag:s8] =	ssyncset.done $0x0  }
0x6e: {  	[sflag:s8] =	ssyncadd.s32 $0xFFFFFF00  }
0x6f: {  	[tilespmem:s15], [sflag:$0x2] =	stream.indirect.gather [hbm4b:s2+s10], $0x40, s13, s10, $0xb8;
	[tilespmem:$0x11A00] =	vst v63  }
0x70: {  	_ =	swait.ge [sflag:s16], $0x2000  }
0x71: {  	[sflag:s16] =	ssyncset.done $0x0  }
0x72: {  	[sflag:s16] =	ssyncadd.s32 $0xFFFFE000  }
0x73: {  	[spmem:s12] =	stream.indirect.scatter.add.f32 [tilespmem:s7], [sflag:$0x3], $0x40, s10, s10, $0xb8;
	[tilespmem:$0x11A00] =	vst v63  }
0x74: {  	s0 =	simm.s32 @p0 $0x80;
	s11 =	simm.s32 @p0 $0x4200  }
0x75: {  	[spmem:s14] =	stream.indirect.scatter.add.f32 @p0 [tilespmem:s11], [sflag:$0x3], $0x10, s0, s0, $0xb8;
	[tilespmem:$0x11A00] =	vst v63  }
0x76: {  	s0 =	simm.s32 @p0 $0x3  }
0x77: {  	_ =	swait.ge @p0 [sflag:s0], $0x2000  }
0x78: {  	[sflag:s0] =	ssyncset.done @p0 $0x0  }
0x79: {  	[sflag:s0] =	ssyncadd.s32 @p0 $0xFFFFE000  }
0x7a: {  	_ =	swait.ge @p0 [sflag:s0], $0x800  }
0x7b: {  	[sflag:s0] =	ssyncset.done @p0 $0x0  }
0x7c: {  	[sflag:s0] =	ssyncadd.s32 @p0 $0xFFFFF800;
	s0 =	simm.s32 @!p0 $0x3  }
0x7d: {  	_ =	swait.ge @!p0 [sflag:s0], $0x2000  }
0x7e: {  	[sflag:s0] =	ssyncset.done @!p0 $0x0  }
0x7f: {  	s25 =	rddreg [dreg:$0x1d];
	[sflag:s0] =	ssyncadd.s32 @!p0 $0xFFFFE000  }
0x80: {  	[tilespmem:s1], [sflag:$0x5] =	stream.linear.gather [hbm4b:s25+s1], $0x100, $0x38;
	[tilespmem:$0x11A00] =	vst v63  }
0x81: {  	_ =	swait.ge [sflag:s8], $0x100  }
0x82: {  	[sflag:s8] =	ssyncset.done $0x0  }
0x83: {  	[sflag:s8] =	ssyncadd.s32 $0xFFFFFF00  }
0x84: {  	[tilespmem:s7], [sflag:$0x1] =	stream.indirect.gather [hbm4b:s2+s10], $0x40, s1, s10, $0xb8;
	[tilespmem:$0x11A00] =	vst v63  }
0x85: {  	_ =	swait.ge [sflag:s17], $0x2000  }
0x86: {  	[sflag:s17] =	ssyncset.done $0x0  }
0x87: {  	[sflag:s17] =	ssyncadd.s32 $0xFFFFE000  }
0x88: {  	[spmem:s12] =	stream.indirect.scatter.add.f32 [tilespmem:s15], [sflag:$0x4], $0x40, s18, s10, $0xb8;
	[tilespmem:$0x11A00] =	vst v63  }
0x89: {  	s29 =	simm.s32 @!p1 $0x80;
	s30 =	simm.s32 @!p1 $0x180;
	s31 =	simm.s32 @!p1 $0x4200  }
0x8a: {  	[spmem:s14] =	stream.indirect.scatter.add.f32 @!p1 [tilespmem:s31], [sflag:$0x4], $0x10, s30, s29, $0xb8;
	[tilespmem:$0x11A00] =	vst v63  }
0x8b: {  	_ =	swait.ge [sflag:s19], $0x2000  }
0x8c: {  	[sflag:s19] =	ssyncset.done $0x0  }
0x8d: {  	s25 =	simm.s32 @!p1 $0x4;
	[sflag:s19] =	ssyncadd.s32 $0xFFFFE000  }
0x8e: {  	_ =	swait.ge @!p1 [sflag:s25], $0x800  }
0x8f: {  	s4 =	sadd.s32 $0xFFFFECC0, s3;
	[sflag:s25] =	ssyncset.done @!p1 $0x0  }
0x90: {  	s5 =	sadd.s32 $0x13A0, s4;
	[sflag:s25] =	ssyncadd.s32 @!p1 $0xFFFFF800  }
0x91: {  	[tilespmem:s13], [sflag:$0x5] =	stream.linear.gather [hbm4b:s5+s1], $0x100, $0x38;
	[tilespmem:$0x11A00] =	vst v63  }
0x92: {  	_ =	swait.ge [sflag:s8], $0x100  }
0x93: {  	[sflag:s8] =	ssyncset.done $0x0  }
0x94: {  	[sflag:s8] =	ssyncadd.s32 $0xFFFFFF00  }
0x95: {  	[tilespmem:s15], [sflag:$0x2] =	stream.indirect.gather [hbm4b:s2+s10], $0x40, s13, s10, $0xb8;
	[tilespmem:$0x11A00] =	vst v63  }
0x96: {  	_ =	swait.ge [sflag:s16], $0x2000  }
0x97: {  	[sflag:s16] =	ssyncset.done $0x0  }
0x98: {  	s11 =	simm.s32 @p1 $0x3;
	[sflag:s16] =	ssyncadd.s32 $0xFFFFE000  }
0x99: {  	[spmem:s12] =	stream.indirect.scatter.add.f32 [tilespmem:s7], [sflag:$0x3], $0x40, s10, s10, $0xb8;
	[tilespmem:$0x11A00] =	vst v63  }
0x9a: {  	_ =	swait.ge @p1 [sflag:s11], $0x2000  }
0x9b: {  	[sflag:s11] =	ssyncset.done @p1 $0x0  }
0x9c: {  	s28 =	simm.s32 @!p1 $0x3;
	[sflag:s11] =	ssyncadd.s32 @p1 $0xFFFFE000  }
0x9d: {  	[spmem:s14] =	stream.indirect.scatter.add.f32 @!p1 [tilespmem:s31], [sflag:$0x3], $0x10, s29, s29, $0xb8;
	[tilespmem:$0x11A00] =	vst v63  }
0x9e: {  	_ =	swait.ge @!p1 [sflag:s28], $0x2000  }
0x9f: {  	[sflag:s28] =	ssyncset.done @!p1 $0x0  }
0xa0: {  	[sflag:s28] =	ssyncadd.s32 @!p1 $0xFFFFE000  }
0xa1: {  	_ =	swait.ge @!p1 [sflag:s28], $0x800  }
0xa2: {  	[sflag:s28] =	ssyncset.done @!p1 $0x0  }
0xa3: {  	s0 =	sadd.s32 $0x13C0, s4;
	[sflag:s28] =	ssyncadd.s32 @!p1 $0xFFFFF800  }
0xa4: {  	[tilespmem:s1], [sflag:$0x5] =	stream.linear.gather [hbm4b:s0+s1], $0x100, $0x38;
	[tilespmem:$0x11A00] =	vst v63  }
0xa5: {  	_ =	swait.ge [sflag:s8], $0x100  }
0xa6: {  	[sflag:s8] =	ssyncset.done $0x0  }
0xa7: {  	[sflag:s8] =	ssyncadd.s32 $0xFFFFFF00  }
0xa8: {  	[tilespmem:s7], [sflag:$0x1] =	stream.indirect.gather [hbm4b:s2+s10], $0x40, s1, s10, $0xb8;
	[tilespmem:$0x11A00] =	vst v63  }
0xa9: {  	_ =	swait.ge [sflag:s17], $0x2000  }
0xaa: {  	[sflag:s17] =	ssyncset.done $0x0  }
0xab: {  	s0 =	simm.s32 $0xFFFFED00;
	[sflag:s17] =	ssyncadd.s32 $0xFFFFE000  }
0xac: {  	[spmem:s12] =	stream.indirect.scatter.add.f32 [tilespmem:s15], [sflag:$0x4], $0x40, s18, s10, $0xb8;
	[tilespmem:$0x11A00] =	vst v63  }
.LBB2_4:
0xad: {  	[spmem:s14] =	stream.indirect.scatter.add.f32 @!p1 [tilespmem:s31], [sflag:$0x4], $0x10, s30, s29, $0xb8;
	[tilespmem:$0x11A00] =	vst v63  }
0xae: {  	s4 =	smov.u32 s0;
	s0 =	sadd.s32 $0x40, s0;
	_ =	swait.ge [sflag:s19], $0x2000  }
0xaf: {  	p2 =	sne.s32 s0, $0x0;
	[sflag:s19] =	ssyncset.done $0x0  }
0xb0: {  	[sflag:s19] =	ssyncadd.s32 $0xFFFFE000  }
0xb1: {  	_ =	swait.ge @!p1 [sflag:s25], $0x800  }
0xb2: {  	s4 =	sadd.s32 s4, s3;
	[sflag:s25] =	ssyncset.done @!p1 $0x0  }
0xb3: {  	s5 =	sadd.s32 $0x13A0, s4;
	[sflag:s25] =	ssyncadd.s32 @!p1 $0xFFFFF800  }
0xb4: {  	[tilespmem:s13], [sflag:$0x5] =	stream.linear.gather [hbm4b:s5+s1], $0x100, $0x38;
	[tilespmem:$0x11A00] =	vst v63  }
0xb5: {  	_ =	swait.ge [sflag:s8], $0x100  }
0xb6: {  	[sflag:s8] =	ssyncset.done $0x0  }
0xb7: {  	[sflag:s8] =	ssyncadd.s32 $0xFFFFFF00  }
0xb8: {  	[tilespmem:s15], [sflag:$0x2] =	stream.indirect.gather [hbm4b:s2+s10], $0x40, s13, s10, $0xb8;
	[tilespmem:$0x11A00] =	vst v63  }
0xb9: {  	_ =	swait.ge [sflag:s16], $0x2000  }
0xba: {  	[sflag:s16] =	ssyncset.done $0x0  }
0xbb: {  	[sflag:s16] =	ssyncadd.s32 $0xFFFFE000  }
0xbc: {  	[spmem:s12] =	stream.indirect.scatter.add.f32 [tilespmem:s7], [sflag:$0x3], $0x40, s10, s10, $0xb8;
	[tilespmem:$0x11A00] =	vst v63  }
0xbd: {  	_ =	swait.ge @p1 [sflag:s11], $0x2000  }
0xbe: {  	[sflag:s11] =	ssyncset.done @p1 $0x0  }
0xbf: {  	[sflag:s11] =	ssyncadd.s32 @p1 $0xFFFFE000  }
0xc0: {  	[spmem:s14] =	stream.indirect.scatter.add.f32 @!p1 [tilespmem:s31], [sflag:$0x3], $0x10, s29, s29, $0xb8;
	[tilespmem:$0x11A00] =	vst v63  }
0xc1: {  	_ =	swait.ge @!p1 [sflag:s28], $0x2000  }
0xc2: {  	[sflag:s28] =	ssyncset.done @!p1 $0x0  }
0xc3: {  	[sflag:s28] =	ssyncadd.s32 @!p1 $0xFFFFE000  }
0xc4: {  	_ =	swait.ge @!p1 [sflag:s28], $0x800  }
0xc5: {  	[sflag:s28] =	ssyncset.done @!p1 $0x0  }
0xc6: {  	s4 =	sadd.s32 $0x13C0, s4;
	[sflag:s28] =	ssyncadd.s32 @!p1 $0xFFFFF800  }
0xc7: {  	[tilespmem:s1], [sflag:$0x5] =	stream.linear.gather [hbm4b:s4+s1], $0x100, $0x38;
	[tilespmem:$0x11A00] =	vst v63  }
0xc8: {  	_ =	swait.ge [sflag:s8], $0x100  }
0xc9: {  	[sflag:s8] =	ssyncset.done $0x0  }
0xca: {  	[sflag:s8] =	ssyncadd.s32 $0xFFFFFF00  }
0xcb: {  	[tilespmem:s7], [sflag:$0x1] =	stream.indirect.gather [hbm4b:s2+s10], $0x40, s1, s10, $0xb8;
	[tilespmem:$0x11A00] =	vst v63  }
.Ltmp1:
0xcc: {  	_ = 	snop;
	(pc) =	sbr.rel @p2 .LBB2_4-.Ltmp1, $4  }
0xcd: {  	_ =	swait.ge [sflag:s17], $0x2000  }
0xce: {  	[sflag:s17] =	ssyncset.done $0x0  }
0xcf: {  	[sflag:s17] =	ssyncadd.s32 $0xFFFFE000  }
0xd0: {  	[spmem:s12] =	stream.indirect.scatter.add.f32 [tilespmem:s15], [sflag:$0x4], $0x40, s18, s10, $0xb8;
	[tilespmem:$0x11A00] =	vst v63  }
0xd1: {  	[spmem:s14] =	stream.indirect.scatter.add.f32 @!p1 [tilespmem:s31], [sflag:$0x4], $0x10, s30, s29, $0xb8;
	[tilespmem:$0x11A00] =	vst v63  }
0xd2: {  	_ =	swait.ge [sflag:s19], $0x2000  }
0xd3: {  	[sflag:s19] =	ssyncset.done $0x0  }
0xd4: {  	[sflag:s19] =	ssyncadd.s32 $0xFFFFE000  }
0xd5: {  	_ =	swait.ge @!p1 [sflag:s25], $0x800  }
0xd6: {  	[sflag:s25] =	ssyncset.done @!p1 $0x0  }
0xd7: {  	[sflag:s25] =	ssyncadd.s32 @!p1 $0xFFFFF800  }
0xd8: {  	[tilespmem:s13], [sflag:$0x5] =	stream.linear.gather [hbm4b:s6+s1], $0x100, $0x38;
	[tilespmem:$0x11A00] =	vst v63  }
0xd9: {  	_ =	swait.ge [sflag:s8], $0x100  }
0xda: {  	[sflag:s8] =	ssyncset.done $0x0  }
0xdb: {  	[sflag:s8] =	ssyncadd.s32 $0xFFFFFF00  }
0xdc: {  	[tilespmem:s15], [sflag:$0x2] =	stream.indirect.gather [hbm4b:s2+s10], $0x40, s13, s10, $0xb8;
	[tilespmem:$0x11A00] =	vst v63  }
0xdd: {  	_ =	swait.ge [sflag:s16], $0x2000  }
0xde: {  	[sflag:s16] =	ssyncset.done $0x0  }
0xdf: {  	s0 =	simm.s32 @p1 $0x2;
	[sflag:s16] =	ssyncadd.s32 $0xFFFFE000  }
0xe0: {  	[spmem:s12] =	stream.indirect.scatter.add.f32 [tilespmem:s7], [sflag:$0x3], $0x40, s10, s10, $0xb8;
	[tilespmem:$0x11A00] =	vst v63  }
0xe1: {  	_ =	swait.ge @p1 [sflag:s0], $0x2000  }
0xe2: {  	s4 =	simm.s32 @p1 $0x180;
	[sflag:s0] =	ssyncset.done @p1 $0x0  }
0xe3: {  	s5 =	simm.s32 @p1 $0x2200;
	[sflag:s0] =	ssyncadd.s32 @p1 $0xFFFFE000;
	s0 =	simm.s32 @p1 $0x80  }
0xe4: {  	[spmem:s12] =	stream.indirect.scatter.add.f32 @p1 [tilespmem:s5], [sflag:$0x4], $0x40, s4, s0, $0xb8;
	[tilespmem:$0x11A00] =	vst v63  }
0xe5: {  	s0 =	simm.s32 @!p1 $0x80;
	s4 =	simm.s32 @!p1 $0x4200;
	s5 =	simm.s32 @!p1 $0x2  }
0xe6: {  	[spmem:s14] =	stream.indirect.scatter.add.f32 @!p1 [tilespmem:s4], [sflag:$0x3], $0x10, s0, s0, $0xb8;
	[tilespmem:$0x11A00] =	vst v63  }
0xe7: {  	_ =	swait.ge @!p1 [sflag:s5], $0x2000  }
0xe8: {  	[sflag:s5] =	ssyncset.done @!p1 $0x0  }
0xe9: {  	s11 =	simm.s32 @!p1 $0x2200;
	[sflag:s5] =	ssyncadd.s32 @!p1 $0xFFFFE000;
	s5 =	simm.s32 @!p1 $0x180  }
0xea: {  	[spmem:s12] =	stream.indirect.scatter.add.f32 @!p1 [tilespmem:s11], [sflag:$0x4], $0x40, s5, s0, $0xb8;
	[tilespmem:$0x11A00] =	vst v63  }
0xeb: {  	_ = 	snop  }
0xec: {  	[spmem:s14] =	stream.indirect.scatter.add.f32 @!p1 [tilespmem:s4], [sflag:$0x4], $0x10, s5, s0, $0xb8;
	[tilespmem:$0x11A00] =	vst v63  }
0xed: {  	_ =	swait.ge [sflag:s21], $0x2000  }
0xee: {  	[sflag:s21] =	ssyncset.done $0x0  }
0xef: {  	s0 =	simm.s32 @p1 $0x4;
	[sflag:s21] =	ssyncadd.s32 $0xFFFFE000  }
0xf0: {  	_ =	swait.ge @p1 [sflag:s0], $0x2000  }
0xf1: {  	[sflag:s0] =	ssyncset.done @p1 $0x0  }
0xf2: {  	[sflag:s0] =	ssyncadd.s32 @p1 $0xFFFFE000  }
0xf3: {  	_ =	swait.ge @!p1 [sflag:s28], $0x800  }
0xf4: {  	[sflag:s28] =	ssyncset.done @!p1 $0x0  }
0xf5: {  	[sflag:s28] =	ssyncadd.s32 @!p1 $0xFFFFF800  }
0xf6: {  	_ =	swait.ge @!p1 [sflag:s25], $0x2000  }
0xf7: {  	[sflag:s25] =	ssyncset.done @!p1 $0x0  }
0xf8: {  	[sflag:s25] =	ssyncadd.s32 @!p1 $0xFFFFE000  }
0xf9: {  	_ =	swait.ge @!p1 [sflag:s25], $0x800  }
0xfa: {  	[sflag:s25] =	ssyncset.done @!p1 $0x0  }
0xfb: {  	[sflag:s25] =	ssyncadd.s32 @!p1 $0xFFFFF800  }
0xfc: {  	[bflag:$0x0] =	sbarrier.arrive $0xFFFF  }
0xfd: {  	s31 =	rddreg [dreg:$0xf]  }
0xfe: {  	[tilespmem:s7], [sflag:$0x5] =	stream.linear.gather [spmem:s31], $0x2000, $0x38;
	[tilespmem:$0x11A00] =	vst v63  }
0xff: {  	_ =	swait.ge [sflag:s8], $0x2000  }
0x100: {  	[sflag:s8] =	ssyncset.done $0x0  }
0x101: {  	s4 =	rddreg [dreg:$0x5];
	[sflag:s8] =	ssyncadd.s32 $0xFFFFE000  }
0x102: {  	[hbm4b:s4+s1] =	stream.linear.scatter [tilespmem:s7], [sflag:$0x5], $0x2000, $0x38;
	[tilespmem:$0x11A00] =	vst v63  }
0x103: {  	_ =	swait.ge [sflag:s8], $0x2000  }
0x104: {  	[sflag:s8] =	ssyncset.done $0x0  }
0x105: {  	s5 =	rddreg [dreg:$0x17];
	[sflag:s8] =	ssyncadd.s32 $0xFFFFE000  }
0x106: {  	[tilespmem:s9], [sflag:$0x5] =	stream.linear.gather [spmem:s5], $0x800, $0x38;
	[tilespmem:$0x11A00] =	vst v63  }
0x107: {  	_ =	swait.ge [sflag:s8], $0x800  }
0x108: {  	[sflag:s8] =	ssyncset.done $0x0  }
0x109: {  	s11 =	rddreg [dreg:$0x6];
	[sflag:s8] =	ssyncadd.s32 $0xFFFFF800  }
0x10a: {  	[hbm4b:s11+s1] =	stream.linear.scatter [tilespmem:s9], [sflag:$0x5], $0x800, $0x38;
	[tilespmem:$0x11A00] =	vst v63  }
0x10b: {  	_ =	swait.ge [sflag:s8], $0x800  }
0x10c: {  	[sflag:s8] =	ssyncset.done $0x0  }
0x10d: {  	[sflag:s8] =	ssyncadd.s32 $0xFFFFF800  }
0x10e: {  	[tilespmem:s7], [sflag:$0x5] =	stream.linear.gather [spmem:s20], $0x2000, $0x38;
	[tilespmem:$0x11A00] =	vst v63  }
0x10f: {  	_ =	swait.ge [sflag:s8], $0x2000  }
0x110: {  	[sflag:s8] =	ssyncset.done $0x0  }
0x111: {  	s25 =	rddreg [dreg:$0x7];
	[sflag:s8] =	ssyncadd.s32 $0xFFFFE000  }
0x112: {  	[hbm4b:s25+s1] =	stream.linear.scatter [tilespmem:s7], [sflag:$0x5], $0x2000, $0x38;
	[tilespmem:$0x11A00] =	vst v63  }
0x113: {  	_ =	swait.ge [sflag:s8], $0x2000  }
0x114: {  	[sflag:s8] =	ssyncset.done $0x0  }
0x115: {  	s28 =	rddreg [dreg:$0x18];
	[sflag:s8] =	ssyncadd.s32 $0xFFFFE000  }
0x116: {  	[tilespmem:s9], [sflag:$0x5] =	stream.linear.gather [spmem:s28], $0x800, $0x38;
	[tilespmem:$0x11A00] =	vst v63  }
0x117: {  	_ =	swait.ge [sflag:s8], $0x800  }
0x118: {  	[sflag:s8] =	ssyncset.done $0x0  }
0x119: {  	s29 =	rddreg [dreg:$0xb];
	[sflag:s8] =	ssyncadd.s32 $0xFFFFF800  }
0x11a: {  	[hbm4b:s29+s1] =	stream.linear.scatter [tilespmem:s9], [sflag:$0x5], $0x800, $0x38;
	[tilespmem:$0x11A00] =	vst v63  }
0x11b: {  	_ =	swait.ge [sflag:s8], $0x800  }
0x11c: {  	[sflag:s8] =	ssyncset.done $0x0  }
0x11d: {  	[sflag:s8] =	ssyncadd.s32 $0xFFFFF800  }
0x11e: {  	[tilespmem:s7], [sflag:$0x5] =	stream.linear.gather [spmem:s22], $0x2000, $0x38;
	[tilespmem:$0x11A00] =	vst v63  }
0x11f: {  	_ =	swait.ge [sflag:s8], $0x2000  }
0x120: {  	[sflag:s8] =	ssyncset.done $0x0  }
0x121: {  	s30 =	rddreg [dreg:$0x8];
	[sflag:s8] =	ssyncadd.s32 $0xFFFFE000  }
0x122: {  	[hbm4b:s30+s1] =	stream.linear.scatter [tilespmem:s7], [sflag:$0x5], $0x2000, $0x38;
	[tilespmem:$0x11A00] =	vst v63  }
0x123: {  	_ =	swait.ge [sflag:s8], $0x2000  }
0x124: {  	[sflag:s8] =	ssyncset.done $0x0  }
0x125: {  	s31 =	rddreg [dreg:$0x19];
	[sflag:s8] =	ssyncadd.s32 $0xFFFFE000  }
0x126: {  	[tilespmem:s9], [sflag:$0x5] =	stream.linear.gather [spmem:s31], $0x800, $0x38;
	[tilespmem:$0x11A00] =	vst v63  }
0x127: {  	_ =	swait.ge [sflag:s8], $0x800  }
0x128: {  	[sflag:s8] =	ssyncset.done $0x0  }
0x129: {  	s4 =	rddreg [dreg:$0xc];
	[sflag:s8] =	ssyncadd.s32 $0xFFFFF800  }
0x12a: {  	[hbm4b:s4+s1] =	stream.linear.scatter [tilespmem:s9], [sflag:$0x5], $0x800, $0x38;
	[tilespmem:$0x11A00] =	vst v63  }
0x12b: {  	_ =	swait.ge [sflag:s8], $0x800  }
0x12c: {  	[sflag:s8] =	ssyncset.done $0x0  }
0x12d: {  	[sflag:s8] =	ssyncadd.s32 $0xFFFFF800  }
0x12e: {  	[tilespmem:s7], [sflag:$0x5] =	stream.linear.gather [spmem:s24], $0x2000, $0x38;
	[tilespmem:$0x11A00] =	vst v63  }
0x12f: {  	_ =	swait.ge [sflag:s8], $0x2000  }
0x130: {  	[sflag:s8] =	ssyncset.done $0x0  }
0x131: {  	s5 =	rddreg [dreg:$0x9];
	[sflag:s8] =	ssyncadd.s32 $0xFFFFE000  }
0x132: {  	[hbm4b:s5+s1] =	stream.linear.scatter [tilespmem:s7], [sflag:$0x5], $0x2000, $0x38;
	[tilespmem:$0x11A00] =	vst v63  }
0x133: {  	_ =	swait.ge [sflag:s8], $0x2000  }
0x134: {  	[sflag:s8] =	ssyncset.done $0x0  }
0x135: {  	s11 =	rddreg [dreg:$0x1a];
	[sflag:s8] =	ssyncadd.s32 $0xFFFFE000  }
0x136: {  	[tilespmem:s9], [sflag:$0x5] =	stream.linear.gather [spmem:s11], $0x800, $0x38;
	[tilespmem:$0x11A00] =	vst v63  }
0x137: {  	_ =	swait.ge [sflag:s8], $0x800  }
0x138: {  	[sflag:s8] =	ssyncset.done $0x0  }
0x139: {  	s25 =	rddreg [dreg:$0xd];
	[sflag:s8] =	ssyncadd.s32 $0xFFFFF800  }
0x13a: {  	[hbm4b:s25+s1] =	stream.linear.scatter [tilespmem:s9], [sflag:$0x5], $0x800, $0x38;
	[tilespmem:$0x11A00] =	vst v63  }
0x13b: {  	_ =	swait.ge [sflag:s8], $0x800  }
0x13c: {  	[sflag:s8] =	ssyncset.done $0x0  }
0x13d: {  	[sflag:s8] =	ssyncadd.s32 $0xFFFFF800  }
0x13e: {  	[tilespmem:s7], [sflag:$0x5] =	stream.linear.gather [spmem:s26], $0x2000, $0x38;
	[tilespmem:$0x11A00] =	vst v63  }
0x13f: {  	_ =	swait.ge [sflag:s8], $0x2000  }
0x140: {  	[sflag:s8] =	ssyncset.done $0x0  }
0x141: {  	s28 =	rddreg [dreg:$0xa];
	[sflag:s8] =	ssyncadd.s32 $0xFFFFE000  }
0x142: {  	[hbm4b:s28+s1] =	stream.linear.scatter [tilespmem:s7], [sflag:$0x5], $0x2000, $0x38;
	[tilespmem:$0x11A00] =	vst v63  }
0x143: {  	_ =	swait.ge [sflag:s8], $0x2000  }
0x144: {  	[sflag:s8] =	ssyncset.done $0x0  }
0x145: {  	s29 =	rddreg [dreg:$0x1b];
	[sflag:s8] =	ssyncadd.s32 $0xFFFFE000  }
0x146: {  	[tilespmem:s9], [sflag:$0x5] =	stream.linear.gather [spmem:s29], $0x800, $0x38;
	[tilespmem:$0x11A00] =	vst v63  }
0x147: {  	_ =	swait.ge [sflag:s8], $0x800  }
0x148: {  	[sflag:s8] =	ssyncset.done $0x0  }
0x149: {  	s30 =	rddreg [dreg:$0xe];
	[sflag:s8] =	ssyncadd.s32 $0xFFFFF800  }
0x14a: {  	[hbm4b:s30+s1] =	stream.linear.scatter [tilespmem:s9], [sflag:$0x5], $0x800, $0x38;
	[tilespmem:$0x11A00] =	vst v63  }
0x14b: {  	_ =	swait.ge [sflag:s8], $0x800  }
0x14c: {  	s23 =	sadd.s32 $0x1, s23;
	s31 =	rddreg [dreg:$0x10]  }
0x14d: {  	p2 =	sne.s32 s23, s31  }
.Ltmp2:
0x14e: {  	_ = 	snop;
	(pc) =	sbr.rel @p2 .LBB2_1-.Ltmp2, $3  }
0x14f: {  	_ =	sdelay $0x1  }
0x150: {  	[sflag:s8] =	ssyncset.done $0x0  }
0x151: {  	[sflag:s8] =	ssyncadd.s32 $0xFFFFF800  }
0x152: {  	_ =	sfence.sel $0x180000  }
0x153: {  	[bflag:$0x0] =	sbarrier.arrive $0xFFFF  }
0x154: {  	_ =	strace $0x90000047  }
0x155: {  	s0 =	stileid.u32;
	[bflag:$0x2] =	sbarrier.arrive $0xFFFF  }
0x156: {  	p0 =	sne.s32 s0, $0x0;
	s0 =	rddreg [dreg:$0x4]  }
0x157: {  	s0 =	sadd.s32 @!p0 $0x100000, s0  }
0x158: {  	[sflag:s0] =	ssyncadd.tile.s32 @!p0 $0x1;
	_ =	shalt  }
.Lfunc_end2:
_tile_overlayer_lowered:
.L_overlay_start_2:
0x159: {  	(tag) =	ssettag $0x2  }
0x15a: {  	s0 =	rddreg [dreg:$0x0];
	s2 =	stileid.u32  }
0x15b: {  	s1 =	rddreg [dreg:$0x1];
	p0 =	sne.s32 s2, $0x0  }
0x15c: {  	s3 =	rddreg [dreg:$0x2];
	[bflag:$0x3] =	sbarrier.arrive $0xFFFF;
	s2 =	simm.s32 @!p0 $0x1C05  }
0x15d: {  	[timem:s3], [sflag:s2] =	dma.local @!p0 [hbm:s0], s1  }
0x15e: {  	s0 =	simm.s32 @!p0 $0x5  }
0x15f: {  	_ =	swait.ge @!p0 [sflag:s0], s1  }
0x160: {  	s1 =	ssub.s32 @!p0 $0x0, s1;
	[sflag:s0] =	ssyncset.done @!p0 $0x0  }
0x161: {  	[sflag:s0] =	ssyncadd.s32 @!p0 s1  }
0x162: {  	[bflag:$0x3] =	sbarrier.arrive $0xFFFF  }
0x163: {  	_ =	shalt  }

</sc_bundles>
